<compile_context>
chip_gen: v7x
topology: tpu7x:2x2x1
jax: 0.10.2.dev20260603
libtpu: 0.0.44.dev20260713+nightly
codegen_flags: <defaults>
</compile_context>

<pallas_src>
import functools

import jax
import jax.numpy as jnp
from jax import lax
from jax.experimental import pallas as pl
from jax.experimental.pallas import tpu as pltpu
from jax.experimental.pallas import tpu_sc as plsc

N_NODES = 10000
N_PAD = 10240
N_EDGES = 320000
NFEAT = 128
NHID = 64

NC = 2
NS = 16
NW = NC * NS
K = 80
NCHUNK = 125
EPT = NCHUNK * K
N_ACC = N_NODES
STRIPE = N_ACC // NS

_mesh = plsc.VectorSubcoreMesh(core_axis_name="c", subcore_axis_name="s")



@functools.partial(
    pl.kernel,
    out_type=(
        jax.ShapeDtypeStruct((NW, N_PAD), jnp.float32),
        jax.ShapeDtypeStruct((NW, N_PAD), jnp.float32),
    ),
    mesh=_mesh,
    compiler_params=pltpu.CompilerParams(needs_layout_passes=False),
    scratch_types=(
        pltpu.VMEM((EPT,), jnp.int32),
        pltpu.VMEM((EPT,), jnp.int32),
        pltpu.VMEM((N_PAD,), jnp.float32),
        pltpu.VMEM((N_PAD,), jnp.float32),
    ),
)
def _deg_kernel(src_hbm, dst_hbm, zeros_hbm, dsrc_hbm, ddst_hbm,
                src_v, dst_v, hsrc_v, hdst_v):
    c = lax.axis_index("c")
    s = lax.axis_index("s")
    wid = c * NS + s
    pltpu.sync_copy(zeros_hbm, hsrc_v)
    pltpu.sync_copy(zeros_hbm, hdst_v)
    pltpu.sync_copy(src_hbm.at[wid], src_v)
    pltpu.sync_copy(dst_hbm.at[wid], dst_v)
    ones = jnp.full((16,), 1.0, jnp.float32)

    def body(i, carry):
        plsc.addupdate_scatter(hsrc_v, [src_v[pl.ds(i * 16, 16)]], ones)
        plsc.addupdate_scatter(hdst_v, [dst_v[pl.ds(i * 16, 16)]], ones)
        return carry

    lax.fori_loop(0, EPT // 16, body, 0)
    pltpu.sync_copy(hsrc_v, dsrc_hbm.at[wid])
    pltpu.sync_copy(hdst_v, ddst_hbm.at[wid])


def _make_agg_kernel(d, nbuf):

    @functools.partial(
        pl.kernel,
        out_type=jax.ShapeDtypeStruct((NC, N_ACC, d), jnp.float32),
        mesh=_mesh,
        compiler_params=pltpu.CompilerParams(use_tc_tiling_on_sc=False),
        scratch_types=(
            pltpu.VMEM((NCHUNK, K), jnp.int32),
            pltpu.VMEM((NCHUNK, K), jnp.int32),
            tuple(pltpu.VMEM((K, d), jnp.float32) for _ in range(nbuf)),
            pltpu.VMEM_SHARED((N_ACC, d), jnp.float32),
            tuple(pltpu.SemaphoreType.DMA for _ in range(2 * nbuf)),
        ),
    )
    def agg(h_hbm, src_hbm, dst_hbm, zeros_hbm, out_hbm,
            src_v, dst_v, rows, acc_sh, sems):
        gsems = sems[:nbuf]
        ssems = sems[nbuf:]
        c = lax.axis_index("c")
        s = lax.axis_index("s")
        wid = c * NS + s
        row0 = s * STRIPE
        pltpu.sync_copy(zeros_hbm, acc_sh.at[pl.ds(row0, STRIPE)])
        pltpu.sync_copy(src_hbm.at[wid], src_v)
        pltpu.sync_copy(dst_hbm.at[wid], dst_v)
        plsc.subcore_barrier()

        def g_start(i, q):
            pltpu.async_copy(h_hbm.at[src_v.at[i]], rows[q], gsems[q])

        def g_wait(i, q):
            pltpu.make_async_copy(h_hbm.at[src_v.at[i]], rows[q],
                                  gsems[q]).wait()

        def s_start(i, q):
            pltpu.async_copy(rows[q], acc_sh.at[dst_v.at[i]], ssems[q],
                             add=True)

        def s_wait(i, q):
            pltpu.make_async_copy(rows[q], acc_sh.at[dst_v.at[i]],
                                  ssems[q]).wait()

        for q in range(nbuf):
            g_start(q, q)

        def body(j, carry):
            i0 = nbuf * j
            for q in range(nbuf):
                g_wait(i0 + q, q)
                s_start(i0 + q, q)
            for q in range(nbuf):
                s_wait(i0 + q, q)
                nxt = i0 + nbuf + q

                @pl.when(nxt < NCHUNK)
                def _():
                    g_start(nxt, q)

            return carry

        lax.fori_loop(0, NCHUNK // nbuf, body, 0)
        for r in range(NCHUNK % nbuf):
            i = NCHUNK - (NCHUNK % nbuf) + r
            q = i % nbuf
            g_wait(i, q)
            s_start(i, q)
            s_wait(i, q)
        plsc.subcore_barrier()
        pltpu.sync_copy(acc_sh.at[pl.ds(row0, STRIPE)],
                        out_hbm.at[c, pl.ds(row0, STRIPE)])

    return agg


_agg128 = _make_agg_kernel(NFEAT, 3)
_agg64 = _make_agg_kernel(NHID, 6)



_BLK = 1024
_GRID = N_PAD // _BLK


def _prep_body(feat_ref, dsrc_ref, ddst_ref, h1_ref, sout_ref, sin_ref):
    i = pl.program_id(0)
    d_out = jnp.sum(dsrc_ref[:, pl.ds(i * _BLK, _BLK)], axis=0)
    d_in = jnp.sum(ddst_ref[:, pl.ds(i * _BLK, _BLK)], axis=0)
    s_out = lax.rsqrt(jnp.maximum(d_out, 1.0))
    s_in = lax.rsqrt(jnp.maximum(d_in, 1.0))
    h1_ref[...] = feat_ref[...] * s_out[:, None]
    sout_ref[...] = s_out[:, None]
    sin_ref[...] = s_in[:, None]


_prep = pl.pallas_call(
    _prep_body,
    grid=(_GRID,),
    in_specs=[
        pl.BlockSpec((_BLK, NFEAT), lambda i: (i, 0)),
        pl.BlockSpec((NW, N_PAD), lambda i: (0, 0)),
        pl.BlockSpec((NW, N_PAD), lambda i: (0, 0)),
    ],
    out_specs=[
        pl.BlockSpec((_BLK, NFEAT), lambda i: (i, 0)),
        pl.BlockSpec((_BLK, 1), lambda i: (i, 0)),
        pl.BlockSpec((_BLK, 1), lambda i: (i, 0)),
    ],
    out_shape=[
        jax.ShapeDtypeStruct((N_PAD, NFEAT), jnp.float32),
        jax.ShapeDtypeStruct((N_PAD, 1), jnp.float32),
        jax.ShapeDtypeStruct((N_PAD, 1), jnp.float32),
    ],
)


def _mid_body(agg_ref, sin_ref, sout_ref, w1_ref, b1_ref, w2_ref, h2_ref):
    a = (agg_ref[0] + agg_ref[1]) * sin_ref[...]
    x = jnp.maximum(
        jnp.dot(a, w1_ref[...], preferred_element_type=jnp.float32)
        + b1_ref[...], 0.0)
    h2_ref[...] = jnp.dot(x * sout_ref[...], w2_ref[...],
                          preferred_element_type=jnp.float32)


_mid = pl.pallas_call(
    _mid_body,
    grid=(_GRID,),
    in_specs=[
        pl.BlockSpec((NC, _BLK, NFEAT), lambda i: (0, i, 0)),
        pl.BlockSpec((_BLK, 1), lambda i: (i, 0)),
        pl.BlockSpec((_BLK, 1), lambda i: (i, 0)),
        pl.BlockSpec((NFEAT, NFEAT), lambda i: (0, 0)),
        pl.BlockSpec((1, NFEAT), lambda i: (0, 0)),
        pl.BlockSpec((NFEAT, NHID), lambda i: (0, 0)),
    ],
    out_specs=pl.BlockSpec((_BLK, NHID), lambda i: (i, 0)),
    out_shape=jax.ShapeDtypeStruct((N_PAD, NHID), jnp.float32),
)


def _final_body(agg_ref, sin_ref, b2_ref, out_ref):
    z = (agg_ref[0] + agg_ref[1]) * sin_ref[...] + b2_ref[...]
    m = jnp.max(z, axis=1, keepdims=True)
    e = jnp.exp(z - m)
    out_ref[...] = (z - m) - jnp.log(jnp.sum(e, axis=1, keepdims=True))


_final = pl.pallas_call(
    _final_body,
    grid=(_GRID,),
    in_specs=[
        pl.BlockSpec((NC, _BLK, NHID), lambda i: (0, i, 0)),
        pl.BlockSpec((_BLK, 1), lambda i: (i, 0)),
        pl.BlockSpec((1, NHID), lambda i: (0, 0)),
    ],
    out_specs=pl.BlockSpec((_BLK, NHID), lambda i: (i, 0)),
    out_shape=jax.ShapeDtypeStruct((N_NODES, NHID), jnp.float32),
)



def kernel(feat, edge_index, W1, b1, W2, b2):
    src = edge_index[0].astype(jnp.int32)
    dst = edge_index[1].astype(jnp.int32)
    src3 = src.reshape(NW, NCHUNK, K)
    dst3 = dst.reshape(NW, NCHUNK, K)
    zeros_n = jnp.zeros((N_PAD,), jnp.float32)
    zeros128 = jnp.zeros((STRIPE, NFEAT), jnp.float32)
    zeros64 = jnp.zeros((STRIPE, NHID), jnp.float32)

    dsrc, ddst = _deg_kernel(src.reshape(NW, EPT), dst.reshape(NW, EPT),
                             zeros_n)
    h1, s_out, s_in = _prep(feat, dsrc, ddst)
    agg1 = _agg128(h1, src3, dst3, zeros128)
    h2 = _mid(agg1, s_in, s_out, W1, b1.reshape(1, NFEAT), W2)
    agg2 = _agg64(h2, src3, dst3, zeros64)
    return _final(agg2, s_in, b2.reshape(1, NHID))

# --- scband reference (transcript-rebuilt; emitter-appended) ---
"""Pipeline reference for scband-gcn-9234179686680 (READ-ONLY COPY).

The authoritative reference and input builder live on the scoring server;
editing this copy changes nothing except your own understanding.
"""

import jax, jax.numpy as jnp
import numpy as np

N_NODES = 10000
N_EDGES = 320000
NFEAT = 128
NHID = 64


def _gcn_layer(feat, src, dst, W, b):
    # DGL GraphConv with norm='both', allow_zero_in_degree=True
    n = feat.shape[0]
    deg_out = jnp.clip(jnp.bincount(src, length=n), 1, None).astype(feat.dtype)
    deg_in = jnp.clip(jnp.bincount(dst, length=n), 1, None).astype(feat.dtype)
    h = feat * (deg_out ** -0.5)[:, None]
    # DGL applies the weight before aggregation when in_feats > out_feats
    if W.shape[0] > W.shape[1]:
        h = h @ W
    agg = jnp.zeros((n, h.shape[1]), dtype=h.dtype).at[dst].add(h[src])
    agg = agg * (deg_in ** -0.5)[:, None]
    if W.shape[0] <= W.shape[1]:
        agg = agg @ W
    return agg + b


def setup_inputs(seed: int = 0):
    key = jax.random.key(seed)
    k1, k2, k3, k4 = jax.random.split(key, 4)
    feat = jax.random.normal(k1, (N_NODES, NFEAT), dtype=jnp.float32)
    edge_index = jax.random.randint(k2, (2, N_EDGES), 0, N_NODES)
    W1 = jax.random.normal(k3, (NFEAT, 2 * NHID), dtype=jnp.float32) * (1.0 / np.sqrt(NFEAT))
    b1 = jnp.zeros((2 * NHID,), dtype=jnp.float32)
    W2 = jax.random.normal(k4, (2 * NHID, NHID), dtype=jnp.float32) * (1.0 / np.sqrt(2 * NHID))
    b2 = jnp.zeros((NHID,), dtype=jnp.float32)
    return {"feat": feat, "edge_index": edge_index, "W1": W1, "b1": b1, "W2": W2, "b2": b2}


def reference(feat, edge_index, W1, b1, W2, b2):
    src = edge_index[0]
    dst = edge_index[1]
    x = jax.nn.relu(_gcn_layer(feat, src, dst, W1, b1))
    # F.dropout with p=0.0 (and/or eval mode) is the identity
    x = _gcn_layer(x, src, dst, W2, b2)
    return jax.nn.log_softmax(x, axis=1)

if __name__ == "__main__":
    import jax
    _d = setup_inputs()
    print(jax.jit(kernel)(*tuple(_d.values())))

</pallas_src>

<mosaic_0001>
#map = affine_map<(d0, d1) -> (0, 0)>
#map1 = affine_map<(d0, d1) -> (0, 0, 0)>
module attributes {stable_mosaic.version = 14 : i64} {
  func.func @agg(%arg0: i32, %arg1: i32, %arg2: memref<10240x128xf32, #tpu.memory_space<hbm>>, %arg3: memref<32x125x80xi32, #tpu.memory_space<hbm>>, %arg4: memref<32x125x80xi32, #tpu.memory_space<hbm>>, %arg5: memref<625x128xf32, #tpu.memory_space<hbm>>, %arg6: memref<2x10000x128xf32, #tpu.memory_space<hbm>>, %arg7: memref<125x80xi32, #tpu.memory_space<vmem>>, %arg8: memref<125x80xi32, #tpu.memory_space<vmem>>, %arg9: memref<80x128xf32, #tpu.memory_space<vmem>>, %arg10: memref<80x128xf32, #tpu.memory_space<vmem>>, %arg11: memref<80x128xf32, #tpu.memory_space<vmem>>, %arg12: memref<10000x128xf32, #tpu.memory_space<vmem_shared>>, %arg13: memref<!tpu.dma_semaphore, #tpu.memory_space<semaphore_mem>>, %arg14: memref<!tpu.dma_semaphore, #tpu.memory_space<semaphore_mem>>, %arg15: memref<!tpu.dma_semaphore, #tpu.memory_space<semaphore_mem>>, %arg16: memref<!tpu.dma_semaphore, #tpu.memory_space<semaphore_mem>>, %arg17: memref<!tpu.dma_semaphore, #tpu.memory_space<semaphore_mem>>, %arg18: memref<!tpu.dma_semaphore, #tpu.memory_space<semaphore_mem>>) attributes {dimension_semantics = [#tpu.dimension_semantics<core_parallel>, #tpu.dimension_semantics<subcore_parallel>], iteration_bounds = array<i64: 2, 16>, scalar_prefetch = 0 : i64, scratch_operands = 12 : i64, tpu.core_type = #tpu.core_type<sc_vector_subcore>, window_params = [{transform_indices = #map}, {transform_indices = #map1}, {transform_indices = #map1}, {transform_indices = #map}, {transform_indices = #map1}]} {
    %mul3A = arith.constant 16 : i32
    %mul3A_0 = arith.muli %arg0, %mul3A : i32
    %add3A = arith.addi %mul3A_0, %arg1 : i32
    %mul3A_1 = arith.constant 625 : i32
    %mul3A_2 = arith.muli %arg1, %mul3A_1 : i32
    "tpu.region"() ({
      %run_scoped3A = tpu.sem_alloc : memref<!tpu.dma_semaphore, #tpu.memory_space<semaphore_mem>>
      %dma_start3A_70 = arith.constant 0 : i32
      %dma_start3A_71 = tpu.memref_slice %arg12[%mul3A_2, %dma_start3A_70] : memref<10000x128xf32, #tpu.memory_space<vmem_shared>> -> memref<625x128xf32, #tpu.memory_space<vmem_shared>>
      tpu.enqueue_dma source(%arg5 : memref<625x128xf32, #tpu.memory_space<hbm>>) target(%dma_start3A_71 : memref<625x128xf32, #tpu.memory_space<vmem_shared>>) target_semaphore(%run_scoped3A : memref<!tpu.dma_semaphore, #tpu.memory_space<semaphore_mem>>)
      %dma_wait3A_72 = arith.constant 0 : i32
      %dma_wait3A_73 = tpu.memref_slice %arg12[%mul3A_2, %dma_wait3A_72] : memref<10000x128xf32, #tpu.memory_space<vmem_shared>> -> memref<625x128xf32, #tpu.memory_space<vmem_shared>>
      tpu.wait_dma2 semaphore(%run_scoped3A : memref<!tpu.dma_semaphore, #tpu.memory_space<semaphore_mem>>) src(%arg5 : memref<625x128xf32, #tpu.memory_space<hbm>>) dst(%dma_wait3A_73 : memref<625x128xf32, #tpu.memory_space<vmem_shared>>)
      tpu.yield
    }) : () -> ()
    "tpu.region"() ({
      %run_scoped3A = tpu.sem_alloc : memref<!tpu.dma_semaphore, #tpu.memory_space<semaphore_mem>>
      %dma_start3A_70 = arith.constant 0 : i32
      %dma_start3A_71 = arith.constant 0 : i32
      %dma_start3A_72 = tpu.memref_slice %arg3[%add3A, %dma_start3A_70, %dma_start3A_71] : memref<32x125x80xi32, #tpu.memory_space<hbm>> -> memref<1x125x80xi32, #tpu.memory_space<hbm>>
      %dma_start3A_73 = tpu.memref_squeeze %dma_start3A_72 : memref<1x125x80xi32, #tpu.memory_space<hbm>> -> memref<125x80xi32, #tpu.memory_space<hbm>>
      %dma_start3A_74 = arith.constant 0 : i32
      %dma_start3A_75 = arith.constant 0 : i32
      %dma_start3A_76 = tpu.memref_slice %arg3[%add3A, %dma_start3A_74, %dma_start3A_75] : memref<32x125x80xi32, #tpu.memory_space<hbm>> -> memref<1x125x80xi32, #tpu.memory_space<hbm>>
      %dma_start3A_77 = tpu.memref_squeeze %dma_start3A_76 : memref<1x125x80xi32, #tpu.memory_space<hbm>> -> memref<125x80xi32, #tpu.memory_space<hbm>>
      tpu.enqueue_dma source(%dma_start3A_77 : memref<125x80xi32, #tpu.memory_space<hbm>>) target(%arg7 : memref<125x80xi32, #tpu.memory_space<vmem>>) target_semaphore(%run_scoped3A : memref<!tpu.dma_semaphore, #tpu.memory_space<semaphore_mem>>)
      %dma_wait3A_78 = arith.constant 0 : i32
      %dma_wait3A_79 = arith.constant 0 : i32
      %dma_wait3A_80 = tpu.memref_slice %arg3[%add3A, %dma_wait3A_78, %dma_wait3A_79] : memref<32x125x80xi32, #tpu.memory_space<hbm>> -> memref<1x125x80xi32, #tpu.memory_space<hbm>>
      %dma_wait3A_81 = tpu.memref_squeeze %dma_wait3A_80 : memref<1x125x80xi32, #tpu.memory_space<hbm>> -> memref<125x80xi32, #tpu.memory_space<hbm>>
      %dma_wait3A_82 = arith.constant 0 : i32
      %dma_wait3A_83 = arith.constant 0 : i32
      %dma_wait3A_84 = tpu.memref_slice %arg3[%add3A, %dma_wait3A_82, %dma_wait3A_83] : memref<32x125x80xi32, #tpu.memory_space<hbm>> -> memref<1x125x80xi32, #tpu.memory_space<hbm>>
      %dma_wait3A_85 = tpu.memref_squeeze %dma_wait3A_84 : memref<1x125x80xi32, #tpu.memory_space<hbm>> -> memref<125x80xi32, #tpu.memory_space<hbm>>
      tpu.wait_dma2 semaphore(%run_scoped3A : memref<!tpu.dma_semaphore, #tpu.memory_space<semaphore_mem>>) src(%dma_wait3A_85 : memref<125x80xi32, #tpu.memory_space<hbm>>) dst(%arg7 : memref<125x80xi32, #tpu.memory_space<vmem>>)
      tpu.yield
    }) : () -> ()
    "tpu.region"() ({
      %run_scoped3A = tpu.sem_alloc : memref<!tpu.dma_semaphore, #tpu.memory_space<semaphore_mem>>
      %dma_start3A_70 = arith.constant 0 : i32
      %dma_start3A_71 = arith.constant 0 : i32
      %dma_start3A_72 = tpu.memref_slice %arg4[%add3A, %dma_start3A_70, %dma_start3A_71] : memref<32x125x80xi32, #tpu.memory_space<hbm>> -> memref<1x125x80xi32, #tpu.memory_space<hbm>>
      %dma_start3A_73 = tpu.memref_squeeze %dma_start3A_72 : memref<1x125x80xi32, #tpu.memory_space<hbm>> -> memref<125x80xi32, #tpu.memory_space<hbm>>
      %dma_start3A_74 = arith.constant 0 : i32
      %dma_start3A_75 = arith.constant 0 : i32
      %dma_start3A_76 = tpu.memref_slice %arg4[%add3A, %dma_start3A_74, %dma_start3A_75] : memref<32x125x80xi32, #tpu.memory_space<hbm>> -> memref<1x125x80xi32, #tpu.memory_space<hbm>>
      %dma_start3A_77 = tpu.memref_squeeze %dma_start3A_76 : memref<1x125x80xi32, #tpu.memory_space<hbm>> -> memref<125x80xi32, #tpu.memory_space<hbm>>
      tpu.enqueue_dma source(%dma_start3A_77 : memref<125x80xi32, #tpu.memory_space<hbm>>) target(%arg8 : memref<125x80xi32, #tpu.memory_space<vmem>>) target_semaphore(%run_scoped3A : memref<!tpu.dma_semaphore, #tpu.memory_space<semaphore_mem>>)
      %dma_wait3A_78 = arith.constant 0 : i32
      %dma_wait3A_79 = arith.constant 0 : i32
      %dma_wait3A_80 = tpu.memref_slice %arg4[%add3A, %dma_wait3A_78, %dma_wait3A_79] : memref<32x125x80xi32, #tpu.memory_space<hbm>> -> memref<1x125x80xi32, #tpu.memory_space<hbm>>
      %dma_wait3A_81 = tpu.memref_squeeze %dma_wait3A_80 : memref<1x125x80xi32, #tpu.memory_space<hbm>> -> memref<125x80xi32, #tpu.memory_space<hbm>>
      %dma_wait3A_82 = arith.constant 0 : i32
      %dma_wait3A_83 = arith.constant 0 : i32
      %dma_wait3A_84 = tpu.memref_slice %arg4[%add3A, %dma_wait3A_82, %dma_wait3A_83] : memref<32x125x80xi32, #tpu.memory_space<hbm>> -> memref<1x125x80xi32, #tpu.memory_space<hbm>>
      %dma_wait3A_85 = tpu.memref_squeeze %dma_wait3A_84 : memref<1x125x80xi32, #tpu.memory_space<hbm>> -> memref<125x80xi32, #tpu.memory_space<hbm>>
      tpu.wait_dma2 semaphore(%run_scoped3A : memref<!tpu.dma_semaphore, #tpu.memory_space<semaphore_mem>>) src(%dma_wait3A_85 : memref<125x80xi32, #tpu.memory_space<hbm>>) dst(%arg8 : memref<125x80xi32, #tpu.memory_space<vmem>>)
      tpu.yield
    }) : () -> ()
    %barrier3A = arith.constant 0 : index
    tpu.barrier barrier_id(%barrier3A)
    %dma_start3A = arith.constant 0 : i32
    %dma_start3A_3 = arith.constant 0 : i32
    %dma_start3A_4 = tpu.memref_slice %arg7[%dma_start3A, %dma_start3A_3] : memref<125x80xi32, #tpu.memory_space<vmem>> -> memref<1x80xi32, #tpu.memory_space<vmem>>
    %dma_start3A_5 = tpu.memref_squeeze %dma_start3A_4 : memref<1x80xi32, #tpu.memory_space<vmem>> -> memref<80xi32, #tpu.memory_space<vmem>>
    %dma_start3A_6 = arith.constant 0 : i32
    %dma_start3A_7 = arith.constant 0 : i32
    %dma_start3A_8 = tpu.memref_slice %arg2[%dma_start3A_6, %dma_start3A_7] : memref<10240x128xf32, #tpu.memory_space<hbm>> -> memref<10240x128xf32, #tpu.memory_space<hbm>>
    tpu.enqueue_indirect_dma source(%dma_start3A_8 : memref<10240x128xf32, #tpu.memory_space<hbm>>) target(%arg9 : memref<80x128xf32, #tpu.memory_space<vmem>>) offsets(%dma_start3A_5 : memref<80xi32, #tpu.memory_space<vmem>>) semaphore(%arg13 : memref<!tpu.dma_semaphore, #tpu.memory_space<semaphore_mem>>)
    %dma_start3A_9 = arith.constant 1 : i32
    %dma_start3A_10 = arith.constant 0 : i32
    %dma_start3A_11 = tpu.memref_slice %arg7[%dma_start3A_9, %dma_start3A_10] : memref<125x80xi32, #tpu.memory_space<vmem>> -> memref<1x80xi32, #tpu.memory_space<vmem>>
    %dma_start3A_12 = tpu.memref_squeeze %dma_start3A_11 : memref<1x80xi32, #tpu.memory_space<vmem>> -> memref<80xi32, #tpu.memory_space<vmem>>
    %dma_start3A_13 = arith.constant 0 : i32
    %dma_start3A_14 = arith.constant 0 : i32
    %dma_start3A_15 = tpu.memref_slice %arg2[%dma_start3A_13, %dma_start3A_14] : memref<10240x128xf32, #tpu.memory_space<hbm>> -> memref<10240x128xf32, #tpu.memory_space<hbm>>
    tpu.enqueue_indirect_dma source(%dma_start3A_15 : memref<10240x128xf32, #tpu.memory_space<hbm>>) target(%arg10 : memref<80x128xf32, #tpu.memory_space<vmem>>) offsets(%dma_start3A_12 : memref<80xi32, #tpu.memory_space<vmem>>) semaphore(%arg14 : memref<!tpu.dma_semaphore, #tpu.memory_space<semaphore_mem>>)
    %dma_start3A_16 = arith.constant 2 : i32
    %dma_start3A_17 = arith.constant 0 : i32
    %dma_start3A_18 = tpu.memref_slice %arg7[%dma_start3A_16, %dma_start3A_17] : memref<125x80xi32, #tpu.memory_space<vmem>> -> memref<1x80xi32, #tpu.memory_space<vmem>>
    %dma_start3A_19 = tpu.memref_squeeze %dma_start3A_18 : memref<1x80xi32, #tpu.memory_space<vmem>> -> memref<80xi32, #tpu.memory_space<vmem>>
    %dma_start3A_20 = arith.constant 0 : i32
    %dma_start3A_21 = arith.constant 0 : i32
    %dma_start3A_22 = tpu.memref_slice %arg2[%dma_start3A_20, %dma_start3A_21] : memref<10240x128xf32, #tpu.memory_space<hbm>> -> memref<10240x128xf32, #tpu.memory_space<hbm>>
    tpu.enqueue_indirect_dma source(%dma_start3A_22 : memref<10240x128xf32, #tpu.memory_space<hbm>>) target(%arg11 : memref<80x128xf32, #tpu.memory_space<vmem>>) offsets(%dma_start3A_19 : memref<80xi32, #tpu.memory_space<vmem>>) semaphore(%arg15 : memref<!tpu.dma_semaphore, #tpu.memory_space<semaphore_mem>>)
    %scan3A = arith.constant 0 : i32
    %scan3A_23 = arith.constant 0 : i32
    %scan3A_24 = arith.constant 41 : i32
    %scan3A_25 = arith.addi %scan3A_23, %scan3A_24 : i32
    %scan3A_26 = arith.constant 1 : i32
    scf.for %scan3A_70 = %scan3A_23 to %scan3A_25 step %scan3A_26  : i32 {
      %mul3A_71 = arith.constant 3 : i32
      %mul3A_72 = arith.muli %mul3A_71, %scan3A_70 : i32
      %add3A_73 = arith.constant 0 : i32
      %add3A_74 = arith.addi %mul3A_72, %add3A_73 : i32
      %dma_wait3A_75 = arith.constant 0 : i32
      %dma_wait3A_76 = tpu.memref_slice %arg7[%add3A_74, %dma_wait3A_75] : memref<125x80xi32, #tpu.memory_space<vmem>> -> memref<1x80xi32, #tpu.memory_space<vmem>>
      %dma_wait3A_77 = tpu.memref_squeeze %dma_wait3A_76 : memref<1x80xi32, #tpu.memory_space<vmem>> -> memref<80xi32, #tpu.memory_space<vmem>>
      %dma_wait3A_78 = arith.constant 0 : i32
      %dma_wait3A_79 = arith.constant 0 : i32
      %dma_wait3A_80 = tpu.memref_slice %arg2[%dma_wait3A_78, %dma_wait3A_79] : memref<10240x128xf32, #tpu.memory_space<hbm>> -> memref<10240x128xf32, #tpu.memory_space<hbm>>
      tpu.wait_indirect_dma semaphore(%arg13 : memref<!tpu.dma_semaphore, #tpu.memory_space<semaphore_mem>>) src(%dma_wait3A_80 : memref<10240x128xf32, #tpu.memory_space<hbm>>) dst(%arg9 : memref<80x128xf32, #tpu.memory_space<vmem>>)
      %add3A_81 = arith.constant 0 : i32
      %add3A_82 = arith.addi %mul3A_72, %add3A_81 : i32
      %dma_start3A_83 = arith.constant 0 : i32
      %dma_start3A_84 = tpu.memref_slice %arg8[%add3A_82, %dma_start3A_83] : memref<125x80xi32, #tpu.memory_space<vmem>> -> memref<1x80xi32, #tpu.memory_space<vmem>>
      %dma_start3A_85 = tpu.memref_squeeze %dma_start3A_84 : memref<1x80xi32, #tpu.memory_space<vmem>> -> memref<80xi32, #tpu.memory_space<vmem>>
      %dma_start3A_86 = arith.constant 0 : i32
      %dma_start3A_87 = arith.constant 0 : i32
      %dma_start3A_88 = tpu.memref_slice %arg12[%dma_start3A_86, %dma_start3A_87] : memref<10000x128xf32, #tpu.memory_space<vmem_shared>> -> memref<10000x128xf32, #tpu.memory_space<vmem_shared>>
      tpu.enqueue_indirect_dma source(%arg9 : memref<80x128xf32, #tpu.memory_space<vmem>>) target(%dma_start3A_88 : memref<10000x128xf32, #tpu.memory_space<vmem_shared>>) offsets(%dma_start3A_85 : memref<80xi32, #tpu.memory_space<vmem>>) semaphore(%arg16 : memref<!tpu.dma_semaphore, #tpu.memory_space<semaphore_mem>>) {add = true}
      %add3A_89 = arith.constant 1 : i32
      %add3A_90 = arith.addi %mul3A_72, %add3A_89 : i32
      %dma_wait3A_91 = arith.constant 0 : i32
      %dma_wait3A_92 = tpu.memref_slice %arg7[%add3A_90, %dma_wait3A_91] : memref<125x80xi32, #tpu.memory_space<vmem>> -> memref<1x80xi32, #tpu.memory_space<vmem>>
      %dma_wait3A_93 = tpu.memref_squeeze %dma_wait3A_92 : memref<1x80xi32, #tpu.memory_space<vmem>> -> memref<80xi32, #tpu.memory_space<vmem>>
      %dma_wait3A_94 = arith.constant 0 : i32
      %dma_wait3A_95 = arith.constant 0 : i32
      %dma_wait3A_96 = tpu.memref_slice %arg2[%dma_wait3A_94, %dma_wait3A_95] : memref<10240x128xf32, #tpu.memory_space<hbm>> -> memref<10240x128xf32, #tpu.memory_space<hbm>>
      tpu.wait_indirect_dma semaphore(%arg14 : memref<!tpu.dma_semaphore, #tpu.memory_space<semaphore_mem>>) src(%dma_wait3A_96 : memref<10240x128xf32, #tpu.memory_space<hbm>>) dst(%arg10 : memref<80x128xf32, #tpu.memory_space<vmem>>)
      %add3A_97 = arith.constant 1 : i32
      %add3A_98 = arith.addi %mul3A_72, %add3A_97 : i32
      %dma_start3A_99 = arith.constant 0 : i32
      %dma_start3A_100 = tpu.memref_slice %arg8[%add3A_98, %dma_start3A_99] : memref<125x80xi32, #tpu.memory_space<vmem>> -> memref<1x80xi32, #tpu.memory_space<vmem>>
      %dma_start3A_101 = tpu.memref_squeeze %dma_start3A_100 : memref<1x80xi32, #tpu.memory_space<vmem>> -> memref<80xi32, #tpu.memory_space<vmem>>
      %dma_start3A_102 = arith.constant 0 : i32
      %dma_start3A_103 = arith.constant 0 : i32
      %dma_start3A_104 = tpu.memref_slice %arg12[%dma_start3A_102, %dma_start3A_103] : memref<10000x128xf32, #tpu.memory_space<vmem_shared>> -> memref<10000x128xf32, #tpu.memory_space<vmem_shared>>
      tpu.enqueue_indirect_dma source(%arg10 : memref<80x128xf32, #tpu.memory_space<vmem>>) target(%dma_start3A_104 : memref<10000x128xf32, #tpu.memory_space<vmem_shared>>) offsets(%dma_start3A_101 : memref<80xi32, #tpu.memory_space<vmem>>) semaphore(%arg17 : memref<!tpu.dma_semaphore, #tpu.memory_space<semaphore_mem>>) {add = true}
      %add3A_105 = arith.constant 2 : i32
      %add3A_106 = arith.addi %mul3A_72, %add3A_105 : i32
      %dma_wait3A_107 = arith.constant 0 : i32
      %dma_wait3A_108 = tpu.memref_slice %arg7[%add3A_106, %dma_wait3A_107] : memref<125x80xi32, #tpu.memory_space<vmem>> -> memref<1x80xi32, #tpu.memory_space<vmem>>
      %dma_wait3A_109 = tpu.memref_squeeze %dma_wait3A_108 : memref<1x80xi32, #tpu.memory_space<vmem>> -> memref<80xi32, #tpu.memory_space<vmem>>
      %dma_wait3A_110 = arith.constant 0 : i32
      %dma_wait3A_111 = arith.constant 0 : i32
      %dma_wait3A_112 = tpu.memref_slice %arg2[%dma_wait3A_110, %dma_wait3A_111] : memref<10240x128xf32, #tpu.memory_space<hbm>> -> memref<10240x128xf32, #tpu.memory_space<hbm>>
      tpu.wait_indirect_dma semaphore(%arg15 : memref<!tpu.dma_semaphore, #tpu.memory_space<semaphore_mem>>) src(%dma_wait3A_112 : memref<10240x128xf32, #tpu.memory_space<hbm>>) dst(%arg11 : memref<80x128xf32, #tpu.memory_space<vmem>>)
      %add3A_113 = arith.constant 2 : i32
      %add3A_114 = arith.addi %mul3A_72, %add3A_113 : i32
      %dma_start3A_115 = arith.constant 0 : i32
      %dma_start3A_116 = tpu.memref_slice %arg8[%add3A_114, %dma_start3A_115] : memref<125x80xi32, #tpu.memory_space<vmem>> -> memref<1x80xi32, #tpu.memory_space<vmem>>
      %dma_start3A_117 = tpu.memref_squeeze %dma_start3A_116 : memref<1x80xi32, #tpu.memory_space<vmem>> -> memref<80xi32, #tpu.memory_space<vmem>>
      %dma_start3A_118 = arith.constant 0 : i32
      %dma_start3A_119 = arith.constant 0 : i32
      %dma_start3A_120 = tpu.memref_slice %arg12[%dma_start3A_118, %dma_start3A_119] : memref<10000x128xf32, #tpu.memory_space<vmem_shared>> -> memref<10000x128xf32, #tpu.memory_space<vmem_shared>>
      tpu.enqueue_indirect_dma source(%arg11 : memref<80x128xf32, #tpu.memory_space<vmem>>) target(%dma_start3A_120 : memref<10000x128xf32, #tpu.memory_space<vmem_shared>>) offsets(%dma_start3A_117 : memref<80xi32, #tpu.memory_space<vmem>>) semaphore(%arg18 : memref<!tpu.dma_semaphore, #tpu.memory_space<semaphore_mem>>) {add = true}
      %add3A_121 = arith.constant 0 : i32
      %add3A_122 = arith.addi %mul3A_72, %add3A_121 : i32
      %dma_wait3A_123 = arith.constant 0 : i32
      %dma_wait3A_124 = tpu.memref_slice %arg8[%add3A_122, %dma_wait3A_123] : memref<125x80xi32, #tpu.memory_space<vmem>> -> memref<1x80xi32, #tpu.memory_space<vmem>>
      %dma_wait3A_125 = tpu.memref_squeeze %dma_wait3A_124 : memref<1x80xi32, #tpu.memory_space<vmem>> -> memref<80xi32, #tpu.memory_space<vmem>>
      %dma_wait3A_126 = arith.constant 0 : i32
      %dma_wait3A_127 = arith.constant 0 : i32
      %dma_wait3A_128 = tpu.memref_slice %arg12[%dma_wait3A_126, %dma_wait3A_127] : memref<10000x128xf32, #tpu.memory_space<vmem_shared>> -> memref<10000x128xf32, #tpu.memory_space<vmem_shared>>
      tpu.wait_indirect_dma semaphore(%arg16 : memref<!tpu.dma_semaphore, #tpu.memory_space<semaphore_mem>>) src(%arg9 : memref<80x128xf32, #tpu.memory_space<vmem>>) dst(%dma_wait3A_128 : memref<10000x128xf32, #tpu.memory_space<vmem_shared>>)
      %add3A_129 = arith.constant 3 : i32
      %add3A_130 = arith.addi %mul3A_72, %add3A_129 : i32
      %add3A_131 = arith.constant 0 : i32
      %add3A_132 = arith.addi %add3A_130, %add3A_131 : i32
      %lt3A = arith.constant 125 : i32
      %lt3A_133 = arith.cmpi slt, %add3A_132, %lt3A : i32
      %convert_element_type3A = arith.extui %lt3A_133 : i1 to i32
      %cond3A = arith.constant 0 : i32
      %cond3A_134 = arith.cmpi ne, %convert_element_type3A, %cond3A : i32
      scf.if %cond3A_134 {
        %dma_start3A_169 = arith.constant 0 : i32
        %dma_start3A_170 = tpu.memref_slice %arg7[%add3A_132, %dma_start3A_169] : memref<125x80xi32, #tpu.memory_space<vmem>> -> memref<1x80xi32, #tpu.memory_space<vmem>>
        %dma_start3A_171 = tpu.memref_squeeze %dma_start3A_170 : memref<1x80xi32, #tpu.memory_space<vmem>> -> memref<80xi32, #tpu.memory_space<vmem>>
        %dma_start3A_172 = arith.constant 0 : i32
        %dma_start3A_173 = arith.constant 0 : i32
        %dma_start3A_174 = tpu.memref_slice %arg2[%dma_start3A_172, %dma_start3A_173] : memref<10240x128xf32, #tpu.memory_space<hbm>> -> memref<10240x128xf32, #tpu.memory_space<hbm>>
        tpu.enqueue_indirect_dma source(%dma_start3A_174 : memref<10240x128xf32, #tpu.memory_space<hbm>>) target(%arg9 : memref<80x128xf32, #tpu.memory_space<vmem>>) offsets(%dma_start3A_171 : memref<80xi32, #tpu.memory_space<vmem>>) semaphore(%arg13 : memref<!tpu.dma_semaphore, #tpu.memory_space<semaphore_mem>>)
      } else {
      }
      %add3A_135 = arith.constant 1 : i32
      %add3A_136 = arith.addi %mul3A_72, %add3A_135 : i32
      %dma_wait3A_137 = arith.constant 0 : i32
      %dma_wait3A_138 = tpu.memref_slice %arg8[%add3A_136, %dma_wait3A_137] : memref<125x80xi32, #tpu.memory_space<vmem>> -> memref<1x80xi32, #tpu.memory_space<vmem>>
      %dma_wait3A_139 = tpu.memref_squeeze %dma_wait3A_138 : memref<1x80xi32, #tpu.memory_space<vmem>> -> memref<80xi32, #tpu.memory_space<vmem>>
      %dma_wait3A_140 = arith.constant 0 : i32
      %dma_wait3A_141 = arith.constant 0 : i32
      %dma_wait3A_142 = tpu.memref_slice %arg12[%dma_wait3A_140, %dma_wait3A_141] : memref<10000x128xf32, #tpu.memory_space<vmem_shared>> -> memref<10000x128xf32, #tpu.memory_space<vmem_shared>>
      tpu.wait_indirect_dma semaphore(%arg17 : memref<!tpu.dma_semaphore, #tpu.memory_space<semaphore_mem>>) src(%arg10 : memref<80x128xf32, #tpu.memory_space<vmem>>) dst(%dma_wait3A_142 : memref<10000x128xf32, #tpu.memory_space<vmem_shared>>)
      %add3A_143 = arith.constant 3 : i32
      %add3A_144 = arith.addi %mul3A_72, %add3A_143 : i32
      %add3A_145 = arith.constant 1 : i32
      %add3A_146 = arith.addi %add3A_144, %add3A_145 : i32
      %lt3A_147 = arith.constant 125 : i32
      %lt3A_148 = arith.cmpi slt, %add3A_146, %lt3A_147 : i32
      %convert_element_type3A_149 = arith.extui %lt3A_148 : i1 to i32
      %cond3A_150 = arith.constant 0 : i32
      %cond3A_151 = arith.cmpi ne, %convert_element_type3A_149, %cond3A_150 : i32
      scf.if %cond3A_151 {
        %dma_start3A_169 = arith.constant 0 : i32
        %dma_start3A_170 = tpu.memref_slice %arg7[%add3A_146, %dma_start3A_169] : memref<125x80xi32, #tpu.memory_space<vmem>> -> memref<1x80xi32, #tpu.memory_space<vmem>>
        %dma_start3A_171 = tpu.memref_squeeze %dma_start3A_170 : memref<1x80xi32, #tpu.memory_space<vmem>> -> memref<80xi32, #tpu.memory_space<vmem>>
        %dma_start3A_172 = arith.constant 0 : i32
        %dma_start3A_173 = arith.constant 0 : i32
        %dma_start3A_174 = tpu.memref_slice %arg2[%dma_start3A_172, %dma_start3A_173] : memref<10240x128xf32, #tpu.memory_space<hbm>> -> memref<10240x128xf32, #tpu.memory_space<hbm>>
        tpu.enqueue_indirect_dma source(%dma_start3A_174 : memref<10240x128xf32, #tpu.memory_space<hbm>>) target(%arg10 : memref<80x128xf32, #tpu.memory_space<vmem>>) offsets(%dma_start3A_171 : memref<80xi32, #tpu.memory_space<vmem>>) semaphore(%arg14 : memref<!tpu.dma_semaphore, #tpu.memory_space<semaphore_mem>>)
      } else {
      }
      %add3A_152 = arith.constant 2 : i32
      %add3A_153 = arith.addi %mul3A_72, %add3A_152 : i32
      %dma_wait3A_154 = arith.constant 0 : i32
      %dma_wait3A_155 = tpu.memref_slice %arg8[%add3A_153, %dma_wait3A_154] : memref<125x80xi32, #tpu.memory_space<vmem>> -> memref<1x80xi32, #tpu.memory_space<vmem>>
      %dma_wait3A_156 = tpu.memref_squeeze %dma_wait3A_155 : memref<1x80xi32, #tpu.memory_space<vmem>> -> memref<80xi32, #tpu.memory_space<vmem>>
      %dma_wait3A_157 = arith.constant 0 : i32
      %dma_wait3A_158 = arith.constant 0 : i32
      %dma_wait3A_159 = tpu.memref_slice %arg12[%dma_wait3A_157, %dma_wait3A_158] : memref<10000x128xf32, #tpu.memory_space<vmem_shared>> -> memref<10000x128xf32, #tpu.memory_space<vmem_shared>>
      tpu.wait_indirect_dma semaphore(%arg18 : memref<!tpu.dma_semaphore, #tpu.memory_space<semaphore_mem>>) src(%arg11 : memref<80x128xf32, #tpu.memory_space<vmem>>) dst(%dma_wait3A_159 : memref<10000x128xf32, #tpu.memory_space<vmem_shared>>)
      %add3A_160 = arith.constant 3 : i32
      %add3A_161 = arith.addi %mul3A_72, %add3A_160 : i32
      %add3A_162 = arith.constant 2 : i32
      %add3A_163 = arith.addi %add3A_161, %add3A_162 : i32
      %lt3A_164 = arith.constant 125 : i32
      %lt3A_165 = arith.cmpi slt, %add3A_163, %lt3A_164 : i32
      %convert_element_type3A_166 = arith.extui %lt3A_165 : i1 to i32
      %cond3A_167 = arith.constant 0 : i32
      %cond3A_168 = arith.cmpi ne, %convert_element_type3A_166, %cond3A_167 : i32
      scf.if %cond3A_168 {
        %dma_start3A_169 = arith.constant 0 : i32
        %dma_start3A_170 = tpu.memref_slice %arg7[%add3A_163, %dma_start3A_169] : memref<125x80xi32, #tpu.memory_space<vmem>> -> memref<1x80xi32, #tpu.memory_space<vmem>>
        %dma_start3A_171 = tpu.memref_squeeze %dma_start3A_170 : memref<1x80xi32, #tpu.memory_space<vmem>> -> memref<80xi32, #tpu.memory_space<vmem>>
        %dma_start3A_172 = arith.constant 0 : i32
        %dma_start3A_173 = arith.constant 0 : i32
        %dma_start3A_174 = tpu.memref_slice %arg2[%dma_start3A_172, %dma_start3A_173] : memref<10240x128xf32, #tpu.memory_space<hbm>> -> memref<10240x128xf32, #tpu.memory_space<hbm>>
        tpu.enqueue_indirect_dma source(%dma_start3A_174 : memref<10240x128xf32, #tpu.memory_space<hbm>>) target(%arg11 : memref<80x128xf32, #tpu.memory_space<vmem>>) offsets(%dma_start3A_171 : memref<80xi32, #tpu.memory_space<vmem>>) semaphore(%arg15 : memref<!tpu.dma_semaphore, #tpu.memory_space<semaphore_mem>>)
      } else {
      }
    }
    %scan3A_27 = arith.constant 41 : i32
    %dma_wait3A = arith.constant 123 : i32
    %dma_wait3A_28 = arith.constant 0 : i32
    %dma_wait3A_29 = tpu.memref_slice %arg7[%dma_wait3A, %dma_wait3A_28] : memref<125x80xi32, #tpu.memory_space<vmem>> -> memref<1x80xi32, #tpu.memory_space<vmem>>
    %dma_wait3A_30 = tpu.memref_squeeze %dma_wait3A_29 : memref<1x80xi32, #tpu.memory_space<vmem>> -> memref<80xi32, #tpu.memory_space<vmem>>
    %dma_wait3A_31 = arith.constant 0 : i32
    %dma_wait3A_32 = arith.constant 0 : i32
    %dma_wait3A_33 = tpu.memref_slice %arg2[%dma_wait3A_31, %dma_wait3A_32] : memref<10240x128xf32, #tpu.memory_space<hbm>> -> memref<10240x128xf32, #tpu.memory_space<hbm>>
    tpu.wait_indirect_dma semaphore(%arg13 : memref<!tpu.dma_semaphore, #tpu.memory_space<semaphore_mem>>) src(%dma_wait3A_33 : memref<10240x128xf32, #tpu.memory_space<hbm>>) dst(%arg9 : memref<80x128xf32, #tpu.memory_space<vmem>>)
    %dma_start3A_34 = arith.constant 123 : i32
    %dma_start3A_35 = arith.constant 0 : i32
    %dma_start3A_36 = tpu.memref_slice %arg8[%dma_start3A_34, %dma_start3A_35] : memref<125x80xi32, #tpu.memory_space<vmem>> -> memref<1x80xi32, #tpu.memory_space<vmem>>
    %dma_start3A_37 = tpu.memref_squeeze %dma_start3A_36 : memref<1x80xi32, #tpu.memory_space<vmem>> -> memref<80xi32, #tpu.memory_space<vmem>>
    %dma_start3A_38 = arith.constant 0 : i32
    %dma_start3A_39 = arith.constant 0 : i32
    %dma_start3A_40 = tpu.memref_slice %arg12[%dma_start3A_38, %dma_start3A_39] : memref<10000x128xf32, #tpu.memory_space<vmem_shared>> -> memref<10000x128xf32, #tpu.memory_space<vmem_shared>>
    tpu.enqueue_indirect_dma source(%arg9 : memref<80x128xf32, #tpu.memory_space<vmem>>) target(%dma_start3A_40 : memref<10000x128xf32, #tpu.memory_space<vmem_shared>>) offsets(%dma_start3A_37 : memref<80xi32, #tpu.memory_space<vmem>>) semaphore(%arg16 : memref<!tpu.dma_semaphore, #tpu.memory_space<semaphore_mem>>) {add = true}
    %dma_wait3A_41 = arith.constant 123 : i32
    %dma_wait3A_42 = arith.constant 0 : i32
    %dma_wait3A_43 = tpu.memref_slice %arg8[%dma_wait3A_41, %dma_wait3A_42] : memref<125x80xi32, #tpu.memory_space<vmem>> -> memref<1x80xi32, #tpu.memory_space<vmem>>
    %dma_wait3A_44 = tpu.memref_squeeze %dma_wait3A_43 : memref<1x80xi32, #tpu.memory_space<vmem>> -> memref<80xi32, #tpu.memory_space<vmem>>
    %dma_wait3A_45 = arith.constant 0 : i32
    %dma_wait3A_46 = arith.constant 0 : i32
    %dma_wait3A_47 = tpu.memref_slice %arg12[%dma_wait3A_45, %dma_wait3A_46] : memref<10000x128xf32, #tpu.memory_space<vmem_shared>> -> memref<10000x128xf32, #tpu.memory_space<vmem_shared>>
    tpu.wait_indirect_dma semaphore(%arg16 : memref<!tpu.dma_semaphore, #tpu.memory_space<semaphore_mem>>) src(%arg9 : memref<80x128xf32, #tpu.memory_space<vmem>>) dst(%dma_wait3A_47 : memref<10000x128xf32, #tpu.memory_space<vmem_shared>>)
    %dma_wait3A_48 = arith.constant 124 : i32
    %dma_wait3A_49 = arith.constant 0 : i32
    %dma_wait3A_50 = tpu.memref_slice %arg7[%dma_wait3A_48, %dma_wait3A_49] : memref<125x80xi32, #tpu.memory_space<vmem>> -> memref<1x80xi32, #tpu.memory_space<vmem>>
    %dma_wait3A_51 = tpu.memref_squeeze %dma_wait3A_50 : memref<1x80xi32, #tpu.memory_space<vmem>> -> memref<80xi32, #tpu.memory_space<vmem>>
    %dma_wait3A_52 = arith.constant 0 : i32
    %dma_wait3A_53 = arith.constant 0 : i32
    %dma_wait3A_54 = tpu.memref_slice %arg2[%dma_wait3A_52, %dma_wait3A_53] : memref<10240x128xf32, #tpu.memory_space<hbm>> -> memref<10240x128xf32, #tpu.memory_space<hbm>>
    tpu.wait_indirect_dma semaphore(%arg14 : memref<!tpu.dma_semaphore, #tpu.memory_space<semaphore_mem>>) src(%dma_wait3A_54 : memref<10240x128xf32, #tpu.memory_space<hbm>>) dst(%arg10 : memref<80x128xf32, #tpu.memory_space<vmem>>)
    %dma_start3A_55 = arith.constant 124 : i32
    %dma_start3A_56 = arith.constant 0 : i32
    %dma_start3A_57 = tpu.memref_slice %arg8[%dma_start3A_55, %dma_start3A_56] : memref<125x80xi32, #tpu.memory_space<vmem>> -> memref<1x80xi32, #tpu.memory_space<vmem>>
    %dma_start3A_58 = tpu.memref_squeeze %dma_start3A_57 : memref<1x80xi32, #tpu.memory_space<vmem>> -> memref<80xi32, #tpu.memory_space<vmem>>
    %dma_start3A_59 = arith.constant 0 : i32
    %dma_start3A_60 = arith.constant 0 : i32
    %dma_start3A_61 = tpu.memref_slice %arg12[%dma_start3A_59, %dma_start3A_60] : memref<10000x128xf32, #tpu.memory_space<vmem_shared>> -> memref<10000x128xf32, #tpu.memory_space<vmem_shared>>
    tpu.enqueue_indirect_dma source(%arg10 : memref<80x128xf32, #tpu.memory_space<vmem>>) target(%dma_start3A_61 : memref<10000x128xf32, #tpu.memory_space<vmem_shared>>) offsets(%dma_start3A_58 : memref<80xi32, #tpu.memory_space<vmem>>) semaphore(%arg17 : memref<!tpu.dma_semaphore, #tpu.memory_space<semaphore_mem>>) {add = true}
    %dma_wait3A_62 = arith.constant 124 : i32
    %dma_wait3A_63 = arith.constant 0 : i32
    %dma_wait3A_64 = tpu.memref_slice %arg8[%dma_wait3A_62, %dma_wait3A_63] : memref<125x80xi32, #tpu.memory_space<vmem>> -> memref<1x80xi32, #tpu.memory_space<vmem>>
    %dma_wait3A_65 = tpu.memref_squeeze %dma_wait3A_64 : memref<1x80xi32, #tpu.memory_space<vmem>> -> memref<80xi32, #tpu.memory_space<vmem>>
    %dma_wait3A_66 = arith.constant 0 : i32
    %dma_wait3A_67 = arith.constant 0 : i32
    %dma_wait3A_68 = tpu.memref_slice %arg12[%dma_wait3A_66, %dma_wait3A_67] : memref<10000x128xf32, #tpu.memory_space<vmem_shared>> -> memref<10000x128xf32, #tpu.memory_space<vmem_shared>>
    tpu.wait_indirect_dma semaphore(%arg17 : memref<!tpu.dma_semaphore, #tpu.memory_space<semaphore_mem>>) src(%arg10 : memref<80x128xf32, #tpu.memory_space<vmem>>) dst(%dma_wait3A_68 : memref<10000x128xf32, #tpu.memory_space<vmem_shared>>)
    %barrier3A_69 = arith.constant 0 : index
    tpu.barrier barrier_id(%barrier3A_69)
    "tpu.region"() ({
      %run_scoped3A = tpu.sem_alloc : memref<!tpu.dma_semaphore, #tpu.memory_space<semaphore_mem>>
      %dma_start3A_70 = arith.constant 0 : i32
      %dma_start3A_71 = tpu.memref_slice %arg6[%arg0, %mul3A_2, %dma_start3A_70] : memref<2x10000x128xf32, #tpu.memory_space<hbm>> -> memref<1x625x128xf32, #tpu.memory_space<hbm>>
      %dma_start3A_72 = tpu.memref_squeeze %dma_start3A_71 : memref<1x625x128xf32, #tpu.memory_space<hbm>> -> memref<625x128xf32, #tpu.memory_space<hbm>>
      %dma_start3A_73 = arith.constant 0 : i32
      %dma_start3A_74 = tpu.memref_slice %arg12[%mul3A_2, %dma_start3A_73] : memref<10000x128xf32, #tpu.memory_space<vmem_shared>> -> memref<625x128xf32, #tpu.memory_space<vmem_shared>>
      tpu.enqueue_dma source(%dma_start3A_74 : memref<625x128xf32, #tpu.memory_space<vmem_shared>>) target(%dma_start3A_72 : memref<625x128xf32, #tpu.memory_space<hbm>>) target_semaphore(%run_scoped3A : memref<!tpu.dma_semaphore, #tpu.memory_space<semaphore_mem>>)
      %dma_wait3A_75 = arith.constant 0 : i32
      %dma_wait3A_76 = tpu.memref_slice %arg6[%arg0, %mul3A_2, %dma_wait3A_75] : memref<2x10000x128xf32, #tpu.memory_space<hbm>> -> memref<1x625x128xf32, #tpu.memory_space<hbm>>
      %dma_wait3A_77 = tpu.memref_squeeze %dma_wait3A_76 : memref<1x625x128xf32, #tpu.memory_space<hbm>> -> memref<625x128xf32, #tpu.memory_space<hbm>>
      %dma_wait3A_78 = arith.constant 0 : i32
      %dma_wait3A_79 = tpu.memref_slice %arg12[%mul3A_2, %dma_wait3A_78] : memref<10000x128xf32, #tpu.memory_space<vmem_shared>> -> memref<625x128xf32, #tpu.memory_space<vmem_shared>>
      tpu.wait_dma2 semaphore(%run_scoped3A : memref<!tpu.dma_semaphore, #tpu.memory_space<semaphore_mem>>) src(%dma_wait3A_79 : memref<625x128xf32, #tpu.memory_space<vmem_shared>>) dst(%dma_wait3A_77 : memref<625x128xf32, #tpu.memory_space<hbm>>)
      tpu.yield
    }) : () -> ()
    return
  }
}

#map = affine_map<(d0, d1) -> (0, 0)>
#map1 = affine_map<(d0, d1) -> (0)>
module attributes {stable_mosaic.version = 14 : i64} {
  func.func @_deg_kernel(%arg0: i32, %arg1: i32, %arg2: memref<32x10000xi32, #tpu.memory_space<hbm>>, %arg3: memref<32x10000xi32, #tpu.memory_space<hbm>>, %arg4: memref<10240xf32, #tpu.memory_space<hbm>>, %arg5: memref<32x10240xf32, #tpu.memory_space<hbm>>, %arg6: memref<32x10240xf32, #tpu.memory_space<hbm>>, %arg7: memref<10000xi32, #tpu.memory_space<vmem>>, %arg8: memref<10000xi32, #tpu.memory_space<vmem>>, %arg9: memref<10240xf32, #tpu.memory_space<vmem>>, %arg10: memref<10240xf32, #tpu.memory_space<vmem>>) attributes {dimension_semantics = [#tpu.dimension_semantics<core_parallel>, #tpu.dimension_semantics<subcore_parallel>], iteration_bounds = array<i64: 2, 16>, scalar_prefetch = 0 : i64, scratch_operands = 4 : i64, tpu.core_type = #tpu.core_type<sc_vector_subcore>, window_params = [{transform_indices = #map}, {transform_indices = #map}, {transform_indices = #map1}, {transform_indices = #map}, {transform_indices = #map}]} {
    %mul3A = arith.constant 16 : i32
    %mul3A_0 = arith.muli %arg0, %mul3A : i32
    %add3A = arith.addi %mul3A_0, %arg1 : i32
    "tpu.region"() ({
      %run_scoped3A = tpu.sem_alloc : memref<!tpu.dma_semaphore, #tpu.memory_space<semaphore_mem>>
      tpu.enqueue_dma source(%arg4 : memref<10240xf32, #tpu.memory_space<hbm>>) target(%arg9 : memref<10240xf32, #tpu.memory_space<vmem>>) target_semaphore(%run_scoped3A : memref<!tpu.dma_semaphore, #tpu.memory_space<semaphore_mem>>)
      tpu.wait_dma2 semaphore(%run_scoped3A : memref<!tpu.dma_semaphore, #tpu.memory_space<semaphore_mem>>) src(%arg4 : memref<10240xf32, #tpu.memory_space<hbm>>) dst(%arg9 : memref<10240xf32, #tpu.memory_space<vmem>>)
      tpu.yield
    }) : () -> ()
    "tpu.region"() ({
      %run_scoped3A = tpu.sem_alloc : memref<!tpu.dma_semaphore, #tpu.memory_space<semaphore_mem>>
      tpu.enqueue_dma source(%arg4 : memref<10240xf32, #tpu.memory_space<hbm>>) target(%arg10 : memref<10240xf32, #tpu.memory_space<vmem>>) target_semaphore(%run_scoped3A : memref<!tpu.dma_semaphore, #tpu.memory_space<semaphore_mem>>)
      tpu.wait_dma2 semaphore(%run_scoped3A : memref<!tpu.dma_semaphore, #tpu.memory_space<semaphore_mem>>) src(%arg4 : memref<10240xf32, #tpu.memory_space<hbm>>) dst(%arg10 : memref<10240xf32, #tpu.memory_space<vmem>>)
      tpu.yield
    }) : () -> ()
    "tpu.region"() ({
      %run_scoped3A = tpu.sem_alloc : memref<!tpu.dma_semaphore, #tpu.memory_space<semaphore_mem>>
      %dma_start3A = arith.constant 0 : i32
      %dma_start3A_7 = tpu.memref_slice %arg2[%add3A, %dma_start3A] : memref<32x10000xi32, #tpu.memory_space<hbm>> -> memref<1x10000xi32, #tpu.memory_space<hbm>>
      %dma_start3A_8 = tpu.memref_squeeze %dma_start3A_7 : memref<1x10000xi32, #tpu.memory_space<hbm>> -> memref<10000xi32, #tpu.memory_space<hbm>>
      %dma_start3A_9 = arith.constant 0 : i32
      %dma_start3A_10 = tpu.memref_slice %arg2[%add3A, %dma_start3A_9] : memref<32x10000xi32, #tpu.memory_space<hbm>> -> memref<1x10000xi32, #tpu.memory_space<hbm>>
      %dma_start3A_11 = tpu.memref_squeeze %dma_start3A_10 : memref<1x10000xi32, #tpu.memory_space<hbm>> -> memref<10000xi32, #tpu.memory_space<hbm>>
      tpu.enqueue_dma source(%dma_start3A_11 : memref<10000xi32, #tpu.memory_space<hbm>>) target(%arg7 : memref<10000xi32, #tpu.memory_space<vmem>>) target_semaphore(%run_scoped3A : memref<!tpu.dma_semaphore, #tpu.memory_space<semaphore_mem>>)
      %dma_wait3A = arith.constant 0 : i32
      %dma_wait3A_12 = tpu.memref_slice %arg2[%add3A, %dma_wait3A] : memref<32x10000xi32, #tpu.memory_space<hbm>> -> memref<1x10000xi32, #tpu.memory_space<hbm>>
      %dma_wait3A_13 = tpu.memref_squeeze %dma_wait3A_12 : memref<1x10000xi32, #tpu.memory_space<hbm>> -> memref<10000xi32, #tpu.memory_space<hbm>>
      %dma_wait3A_14 = arith.constant 0 : i32
      %dma_wait3A_15 = tpu.memref_slice %arg2[%add3A, %dma_wait3A_14] : memref<32x10000xi32, #tpu.memory_space<hbm>> -> memref<1x10000xi32, #tpu.memory_space<hbm>>
      %dma_wait3A_16 = tpu.memref_squeeze %dma_wait3A_15 : memref<1x10000xi32, #tpu.memory_space<hbm>> -> memref<10000xi32, #tpu.memory_space<hbm>>
      tpu.wait_dma2 semaphore(%run_scoped3A : memref<!tpu.dma_semaphore, #tpu.memory_space<semaphore_mem>>) src(%dma_wait3A_16 : memref<10000xi32, #tpu.memory_space<hbm>>) dst(%arg7 : memref<10000xi32, #tpu.memory_space<vmem>>)
      tpu.yield
    }) : () -> ()
    "tpu.region"() ({
      %run_scoped3A = tpu.sem_alloc : memref<!tpu.dma_semaphore, #tpu.memory_space<semaphore_mem>>
      %dma_start3A = arith.constant 0 : i32
      %dma_start3A_7 = tpu.memref_slice %arg3[%add3A, %dma_start3A] : memref<32x10000xi32, #tpu.memory_space<hbm>> -> memref<1x10000xi32, #tpu.memory_space<hbm>>
      %dma_start3A_8 = tpu.memref_squeeze %dma_start3A_7 : memref<1x10000xi32, #tpu.memory_space<hbm>> -> memref<10000xi32, #tpu.memory_space<hbm>>
      %dma_start3A_9 = arith.constant 0 : i32
      %dma_start3A_10 = tpu.memref_slice %arg3[%add3A, %dma_start3A_9] : memref<32x10000xi32, #tpu.memory_space<hbm>> -> memref<1x10000xi32, #tpu.memory_space<hbm>>
      %dma_start3A_11 = tpu.memref_squeeze %dma_start3A_10 : memref<1x10000xi32, #tpu.memory_space<hbm>> -> memref<10000xi32, #tpu.memory_space<hbm>>
      tpu.enqueue_dma source(%dma_start3A_11 : memref<10000xi32, #tpu.memory_space<hbm>>) target(%arg8 : memref<10000xi32, #tpu.memory_space<vmem>>) target_semaphore(%run_scoped3A : memref<!tpu.dma_semaphore, #tpu.memory_space<semaphore_mem>>)
      %dma_wait3A = arith.constant 0 : i32
      %dma_wait3A_12 = tpu.memref_slice %arg3[%add3A, %dma_wait3A] : memref<32x10000xi32, #tpu.memory_space<hbm>> -> memref<1x10000xi32, #tpu.memory_space<hbm>>
      %dma_wait3A_13 = tpu.memref_squeeze %dma_wait3A_12 : memref<1x10000xi32, #tpu.memory_space<hbm>> -> memref<10000xi32, #tpu.memory_space<hbm>>
      %dma_wait3A_14 = arith.constant 0 : i32
      %dma_wait3A_15 = tpu.memref_slice %arg3[%add3A, %dma_wait3A_14] : memref<32x10000xi32, #tpu.memory_space<hbm>> -> memref<1x10000xi32, #tpu.memory_space<hbm>>
      %dma_wait3A_16 = tpu.memref_squeeze %dma_wait3A_15 : memref<1x10000xi32, #tpu.memory_space<hbm>> -> memref<10000xi32, #tpu.memory_space<hbm>>
      tpu.wait_dma2 semaphore(%run_scoped3A : memref<!tpu.dma_semaphore, #tpu.memory_space<semaphore_mem>>) src(%dma_wait3A_16 : memref<10000xi32, #tpu.memory_space<hbm>>) dst(%arg8 : memref<10000xi32, #tpu.memory_space<vmem>>)
      tpu.yield
    }) : () -> ()
    %broadcast_in_dim3A = arith.constant 1.000000e+00 : f32
    %broadcast_in_dim3A_1 = vector.broadcast %broadcast_in_dim3A : f32 to vector<16xf32>
    %scan3A = arith.constant 0 : i32
    %scan3A_2 = arith.constant 0 : i32
    %scan3A_3 = arith.constant 625 : i32
    %scan3A_4 = arith.addi %scan3A_2, %scan3A_3 : i32
    %scan3A_5 = arith.constant 1 : i32
    scf.for %scan3A_7 = %scan3A_2 to %scan3A_4 step %scan3A_5  : i32 {
      %mul3A_8 = arith.constant 16 : i32
      %mul3A_9 = arith.muli %scan3A_7, %mul3A_8 : i32
      %get3A = arith.index_cast %mul3A_9 : i32 to index
      %get3A_10 = tpu.vector_load %arg7[%get3A] {strides = array<i32>} : memref<10000xi32, #tpu.memory_space<vmem>>, vector<16xi32>,
      tpu.vector_store_idx %arg9[%get3A_10], %broadcast_in_dim3A_1 {add = true} : memref<10240xf32, #tpu.memory_space<vmem>>[vector<16xi32>], vector<16xf32>,
      %mul3A_11 = arith.constant 16 : i32
      %mul3A_12 = arith.muli %scan3A_7, %mul3A_11 : i32
      %get3A_13 = arith.index_cast %mul3A_12 : i32 to index
      %get3A_14 = tpu.vector_load %arg8[%get3A_13] {strides = array<i32>} : memref<10000xi32, #tpu.memory_space<vmem>>, vector<16xi32>,
      tpu.vector_store_idx %arg10[%get3A_14], %broadcast_in_dim3A_1 {add = true} : memref<10240xf32, #tpu.memory_space<vmem>>[vector<16xi32>], vector<16xf32>,
    }
    %scan3A_6 = arith.constant 625 : i32
    "tpu.region"() ({
      %run_scoped3A = tpu.sem_alloc : memref<!tpu.dma_semaphore, #tpu.memory_space<semaphore_mem>>
      %dma_start3A = arith.constant 0 : i32
      %dma_start3A_7 = tpu.memref_slice %arg5[%add3A, %dma_start3A] : memref<32x10240xf32, #tpu.memory_space<hbm>> -> memref<1x10240xf32, #tpu.memory_space<hbm>>
      %dma_start3A_8 = tpu.memref_squeeze %dma_start3A_7 : memref<1x10240xf32, #tpu.memory_space<hbm>> -> memref<10240xf32, #tpu.memory_space<hbm>>
      %dma_start3A_9 = arith.constant 0 : i32
      %dma_start3A_10 = tpu.memref_slice %arg5[%add3A, %dma_start3A_9] : memref<32x10240xf32, #tpu.memory_space<hbm>> -> memref<1x10240xf32, #tpu.memory_space<hbm>>
      %dma_start3A_11 = tpu.memref_squeeze %dma_start3A_10 : memref<1x10240xf32, #tpu.memory_space<hbm>> -> memref<10240xf32, #tpu.memory_space<hbm>>
      tpu.enqueue_dma source(%arg9 : memref<10240xf32, #tpu.memory_space<vmem>>) target(%dma_start3A_11 : memref<10240xf32, #tpu.memory_space<hbm>>) target_semaphore(%run_scoped3A : memref<!tpu.dma_semaphore, #tpu.memory_space<semaphore_mem>>)
      %dma_wait3A = arith.constant 0 : i32
      %dma_wait3A_12 = tpu.memref_slice %arg5[%add3A, %dma_wait3A] : memref<32x10240xf32, #tpu.memory_space<hbm>> -> memref<1x10240xf32, #tpu.memory_space<hbm>>
      %dma_wait3A_13 = tpu.memref_squeeze %dma_wait3A_12 : memref<1x10240xf32, #tpu.memory_space<hbm>> -> memref<10240xf32, #tpu.memory_space<hbm>>
      %dma_wait3A_14 = arith.constant 0 : i32
      %dma_wait3A_15 = tpu.memref_slice %arg5[%add3A, %dma_wait3A_14] : memref<32x10240xf32, #tpu.memory_space<hbm>> -> memref<1x10240xf32, #tpu.memory_space<hbm>>
      %dma_wait3A_16 = tpu.memref_squeeze %dma_wait3A_15 : memref<1x10240xf32, #tpu.memory_space<hbm>> -> memref<10240xf32, #tpu.memory_space<hbm>>
      tpu.wait_dma2 semaphore(%run_scoped3A : memref<!tpu.dma_semaphore, #tpu.memory_space<semaphore_mem>>) src(%arg9 : memref<10240xf32, #tpu.memory_space<vmem>>) dst(%dma_wait3A_16 : memref<10240xf32, #tpu.memory_space<hbm>>)
      tpu.yield
    }) : () -> ()
    "tpu.region"() ({
      %run_scoped3A = tpu.sem_alloc : memref<!tpu.dma_semaphore, #tpu.memory_space<semaphore_mem>>
      %dma_start3A = arith.constant 0 : i32
      %dma_start3A_7 = tpu.memref_slice %arg6[%add3A, %dma_start3A] : memref<32x10240xf32, #tpu.memory_space<hbm>> -> memref<1x10240xf32, #tpu.memory_space<hbm>>
      %dma_start3A_8 = tpu.memref_squeeze %dma_start3A_7 : memref<1x10240xf32, #tpu.memory_space<hbm>> -> memref<10240xf32, #tpu.memory_space<hbm>>
      %dma_start3A_9 = arith.constant 0 : i32
      %dma_start3A_10 = tpu.memref_slice %arg6[%add3A, %dma_start3A_9] : memref<32x10240xf32, #tpu.memory_space<hbm>> -> memref<1x10240xf32, #tpu.memory_space<hbm>>
      %dma_start3A_11 = tpu.memref_squeeze %dma_start3A_10 : memref<1x10240xf32, #tpu.memory_space<hbm>> -> memref<10240xf32, #tpu.memory_space<hbm>>
      tpu.enqueue_dma source(%arg10 : memref<10240xf32, #tpu.memory_space<vmem>>) target(%dma_start3A_11 : memref<10240xf32, #tpu.memory_space<hbm>>) target_semaphore(%run_scoped3A : memref<!tpu.dma_semaphore, #tpu.memory_space<semaphore_mem>>)
      %dma_wait3A = arith.constant 0 : i32
      %dma_wait3A_12 = tpu.memref_slice %arg6[%add3A, %dma_wait3A] : memref<32x10240xf32, #tpu.memory_space<hbm>> -> memref<1x10240xf32, #tpu.memory_space<hbm>>
      %dma_wait3A_13 = tpu.memref_squeeze %dma_wait3A_12 : memref<1x10240xf32, #tpu.memory_space<hbm>> -> memref<10240xf32, #tpu.memory_space<hbm>>
      %dma_wait3A_14 = arith.constant 0 : i32
      %dma_wait3A_15 = tpu.memref_slice %arg6[%add3A, %dma_wait3A_14] : memref<32x10240xf32, #tpu.memory_space<hbm>> -> memref<1x10240xf32, #tpu.memory_space<hbm>>
      %dma_wait3A_16 = tpu.memref_squeeze %dma_wait3A_15 : memref<1x10240xf32, #tpu.memory_space<hbm>> -> memref<10240xf32, #tpu.memory_space<hbm>>
      tpu.wait_dma2 semaphore(%run_scoped3A : memref<!tpu.dma_semaphore, #tpu.memory_space<semaphore_mem>>) src(%arg10 : memref<10240xf32, #tpu.memory_space<vmem>>) dst(%dma_wait3A_16 : memref<10240xf32, #tpu.memory_space<hbm>>)
      tpu.yield
    }) : () -> ()
    return
  }
}

#map = affine_map<(d0, d1) -> (0, 0)>
#map1 = affine_map<(d0, d1) -> (0, 0, 0)>
module attributes {stable_mosaic.version = 14 : i64} {
  func.func @agg(%arg0: i32, %arg1: i32, %arg2: memref<10240x64xf32, #tpu.memory_space<hbm>>, %arg3: memref<32x125x80xi32, #tpu.memory_space<hbm>>, %arg4: memref<32x125x80xi32, #tpu.memory_space<hbm>>, %arg5: memref<625x64xf32, #tpu.memory_space<hbm>>, %arg6: memref<2x10000x64xf32, #tpu.memory_space<hbm>>, %arg7: memref<125x80xi32, #tpu.memory_space<vmem>>, %arg8: memref<125x80xi32, #tpu.memory_space<vmem>>, %arg9: memref<80x64xf32, #tpu.memory_space<vmem>>, %arg10: memref<80x64xf32, #tpu.memory_space<vmem>>, %arg11: memref<80x64xf32, #tpu.memory_space<vmem>>, %arg12: memref<80x64xf32, #tpu.memory_space<vmem>>, %arg13: memref<80x64xf32, #tpu.memory_space<vmem>>, %arg14: memref<80x64xf32, #tpu.memory_space<vmem>>, %arg15: memref<10000x64xf32, #tpu.memory_space<vmem_shared>>, %arg16: memref<!tpu.dma_semaphore, #tpu.memory_space<semaphore_mem>>, %arg17: memref<!tpu.dma_semaphore, #tpu.memory_space<semaphore_mem>>, %arg18: memref<!tpu.dma_semaphore, #tpu.memory_space<semaphore_mem>>, %arg19: memref<!tpu.dma_semaphore, #tpu.memory_space<semaphore_mem>>, %arg20: memref<!tpu.dma_semaphore, #tpu.memory_space<semaphore_mem>>, %arg21: memref<!tpu.dma_semaphore, #tpu.memory_space<semaphore_mem>>, %arg22: memref<!tpu.dma_semaphore, #tpu.memory_space<semaphore_mem>>, %arg23: memref<!tpu.dma_semaphore, #tpu.memory_space<semaphore_mem>>, %arg24: memref<!tpu.dma_semaphore, #tpu.memory_space<semaphore_mem>>, %arg25: memref<!tpu.dma_semaphore, #tpu.memory_space<semaphore_mem>>, %arg26: memref<!tpu.dma_semaphore, #tpu.memory_space<semaphore_mem>>, %arg27: memref<!tpu.dma_semaphore, #tpu.memory_space<semaphore_mem>>) attributes {dimension_semantics = [#tpu.dimension_semantics<core_parallel>, #tpu.dimension_semantics<subcore_parallel>], iteration_bounds = array<i64: 2, 16>, scalar_prefetch = 0 : i64, scratch_operands = 21 : i64, tpu.core_type = #tpu.core_type<sc_vector_subcore>, window_params = [{transform_indices = #map}, {transform_indices = #map1}, {transform_indices = #map1}, {transform_indices = #map}, {transform_indices = #map1}]} {
    %mul3A = arith.constant 16 : i32
    %mul3A_0 = arith.muli %arg0, %mul3A : i32
    %add3A = arith.addi %mul3A_0, %arg1 : i32
    %mul3A_1 = arith.constant 625 : i32
    %mul3A_2 = arith.muli %arg1, %mul3A_1 : i32
    "tpu.region"() ({
      %run_scoped3A = tpu.sem_alloc : memref<!tpu.dma_semaphore, #tpu.memory_space<semaphore_mem>>
      %dma_start3A_154 = arith.constant 0 : i32
      %dma_start3A_155 = tpu.memref_slice %arg15[%mul3A_2, %dma_start3A_154] : memref<10000x64xf32, #tpu.memory_space<vmem_shared>> -> memref<625x64xf32, #tpu.memory_space<vmem_shared>>
      tpu.enqueue_dma source(%arg5 : memref<625x64xf32, #tpu.memory_space<hbm>>) target(%dma_start3A_155 : memref<625x64xf32, #tpu.memory_space<vmem_shared>>) target_semaphore(%run_scoped3A : memref<!tpu.dma_semaphore, #tpu.memory_space<semaphore_mem>>)
      %dma_wait3A_156 = arith.constant 0 : i32
      %dma_wait3A_157 = tpu.memref_slice %arg15[%mul3A_2, %dma_wait3A_156] : memref<10000x64xf32, #tpu.memory_space<vmem_shared>> -> memref<625x64xf32, #tpu.memory_space<vmem_shared>>
      tpu.wait_dma2 semaphore(%run_scoped3A : memref<!tpu.dma_semaphore, #tpu.memory_space<semaphore_mem>>) src(%arg5 : memref<625x64xf32, #tpu.memory_space<hbm>>) dst(%dma_wait3A_157 : memref<625x64xf32, #tpu.memory_space<vmem_shared>>)
      tpu.yield
    }) : () -> ()
    "tpu.region"() ({
      %run_scoped3A = tpu.sem_alloc : memref<!tpu.dma_semaphore, #tpu.memory_space<semaphore_mem>>
      %dma_start3A_154 = arith.constant 0 : i32
      %dma_start3A_155 = arith.constant 0 : i32
      %dma_start3A_156 = tpu.memref_slice %arg3[%add3A, %dma_start3A_154, %dma_start3A_155] : memref<32x125x80xi32, #tpu.memory_space<hbm>> -> memref<1x125x80xi32, #tpu.memory_space<hbm>>
      %dma_start3A_157 = tpu.memref_squeeze %dma_start3A_156 : memref<1x125x80xi32, #tpu.memory_space<hbm>> -> memref<125x80xi32, #tpu.memory_space<hbm>>
      %dma_start3A_158 = arith.constant 0 : i32
      %dma_start3A_159 = arith.constant 0 : i32
      %dma_start3A_160 = tpu.memref_slice %arg3[%add3A, %dma_start3A_158, %dma_start3A_159] : memref<32x125x80xi32, #tpu.memory_space<hbm>> -> memref<1x125x80xi32, #tpu.memory_space<hbm>>
      %dma_start3A_161 = tpu.memref_squeeze %dma_start3A_160 : memref<1x125x80xi32, #tpu.memory_space<hbm>> -> memref<125x80xi32, #tpu.memory_space<hbm>>
      tpu.enqueue_dma source(%dma_start3A_161 : memref<125x80xi32, #tpu.memory_space<hbm>>) target(%arg7 : memref<125x80xi32, #tpu.memory_space<vmem>>) target_semaphore(%run_scoped3A : memref<!tpu.dma_semaphore, #tpu.memory_space<semaphore_mem>>)
      %dma_wait3A_162 = arith.constant 0 : i32
      %dma_wait3A_163 = arith.constant 0 : i32
      %dma_wait3A_164 = tpu.memref_slice %arg3[%add3A, %dma_wait3A_162, %dma_wait3A_163] : memref<32x125x80xi32, #tpu.memory_space<hbm>> -> memref<1x125x80xi32, #tpu.memory_space<hbm>>
      %dma_wait3A_165 = tpu.memref_squeeze %dma_wait3A_164 : memref<1x125x80xi32, #tpu.memory_space<hbm>> -> memref<125x80xi32, #tpu.memory_space<hbm>>
      %dma_wait3A_166 = arith.constant 0 : i32
      %dma_wait3A_167 = arith.constant 0 : i32
      %dma_wait3A_168 = tpu.memref_slice %arg3[%add3A, %dma_wait3A_166, %dma_wait3A_167] : memref<32x125x80xi32, #tpu.memory_space<hbm>> -> memref<1x125x80xi32, #tpu.memory_space<hbm>>
      %dma_wait3A_169 = tpu.memref_squeeze %dma_wait3A_168 : memref<1x125x80xi32, #tpu.memory_space<hbm>> -> memref<125x80xi32, #tpu.memory_space<hbm>>
      tpu.wait_dma2 semaphore(%run_scoped3A : memref<!tpu.dma_semaphore, #tpu.memory_space<semaphore_mem>>) src(%dma_wait3A_169 : memref<125x80xi32, #tpu.memory_space<hbm>>) dst(%arg7 : memref<125x80xi32, #tpu.memory_space<vmem>>)
      tpu.yield
    }) : () -> ()
    "tpu.region"() ({
      %run_scoped3A = tpu.sem_alloc : memref<!tpu.dma_semaphore, #tpu.memory_space<semaphore_mem>>
      %dma_start3A_154 = arith.constant 0 : i32
      %dma_start3A_155 = arith.constant 0 : i32
      %dma_start3A_156 = tpu.memref_slice %arg4[%add3A, %dma_start3A_154, %dma_start3A_155] : memref<32x125x80xi32, #tpu.memory_space<hbm>> -> memref<1x125x80xi32, #tpu.memory_space<hbm>>
      %dma_start3A_157 = tpu.memref_squeeze %dma_start3A_156 : memref<1x125x80xi32, #tpu.memory_space<hbm>> -> memref<125x80xi32, #tpu.memory_space<hbm>>
      %dma_start3A_158 = arith.constant 0 : i32
      %dma_start3A_159 = arith.constant 0 : i32
      %dma_start3A_160 = tpu.memref_slice %arg4[%add3A, %dma_start3A_158, %dma_start3A_159] : memref<32x125x80xi32, #tpu.memory_space<hbm>> -> memref<1x125x80xi32, #tpu.memory_space<hbm>>
      %dma_start3A_161 = tpu.memref_squeeze %dma_start3A_160 : memref<1x125x80xi32, #tpu.memory_space<hbm>> -> memref<125x80xi32, #tpu.memory_space<hbm>>
      tpu.enqueue_dma source(%dma_start3A_161 : memref<125x80xi32, #tpu.memory_space<hbm>>) target(%arg8 : memref<125x80xi32, #tpu.memory_space<vmem>>) target_semaphore(%run_scoped3A : memref<!tpu.dma_semaphore, #tpu.memory_space<semaphore_mem>>)
      %dma_wait3A_162 = arith.constant 0 : i32
      %dma_wait3A_163 = arith.constant 0 : i32
      %dma_wait3A_164 = tpu.memref_slice %arg4[%add3A, %dma_wait3A_162, %dma_wait3A_163] : memref<32x125x80xi32, #tpu.memory_space<hbm>> -> memref<1x125x80xi32, #tpu.memory_space<hbm>>
      %dma_wait3A_165 = tpu.memref_squeeze %dma_wait3A_164 : memref<1x125x80xi32, #tpu.memory_space<hbm>> -> memref<125x80xi32, #tpu.memory_space<hbm>>
      %dma_wait3A_166 = arith.constant 0 : i32
      %dma_wait3A_167 = arith.constant 0 : i32
      %dma_wait3A_168 = tpu.memref_slice %arg4[%add3A, %dma_wait3A_166, %dma_wait3A_167] : memref<32x125x80xi32, #tpu.memory_space<hbm>> -> memref<1x125x80xi32, #tpu.memory_space<hbm>>
      %dma_wait3A_169 = tpu.memref_squeeze %dma_wait3A_168 : memref<1x125x80xi32, #tpu.memory_space<hbm>> -> memref<125x80xi32, #tpu.memory_space<hbm>>
      tpu.wait_dma2 semaphore(%run_scoped3A : memref<!tpu.dma_semaphore, #tpu.memory_space<semaphore_mem>>) src(%dma_wait3A_169 : memref<125x80xi32, #tpu.memory_space<hbm>>) dst(%arg8 : memref<125x80xi32, #tpu.memory_space<vmem>>)
      tpu.yield
    }) : () -> ()
    %barrier3A = arith.constant 0 : index
    tpu.barrier barrier_id(%barrier3A)
    %dma_start3A = arith.constant 0 : i32
    %dma_start3A_3 = arith.constant 0 : i32
    %dma_start3A_4 = tpu.memref_slice %arg7[%dma_start3A, %dma_start3A_3] : memref<125x80xi32, #tpu.memory_space<vmem>> -> memref<1x80xi32, #tpu.memory_space<vmem>>
    %dma_start3A_5 = tpu.memref_squeeze %dma_start3A_4 : memref<1x80xi32, #tpu.memory_space<vmem>> -> memref<80xi32, #tpu.memory_space<vmem>>
    %dma_start3A_6 = arith.constant 0 : i32
    %dma_start3A_7 = arith.constant 0 : i32
    %dma_start3A_8 = tpu.memref_slice %arg2[%dma_start3A_6, %dma_start3A_7] : memref<10240x64xf32, #tpu.memory_space<hbm>> -> memref<10240x64xf32, #tpu.memory_space<hbm>>
    tpu.enqueue_indirect_dma source(%dma_start3A_8 : memref<10240x64xf32, #tpu.memory_space<hbm>>) target(%arg9 : memref<80x64xf32, #tpu.memory_space<vmem>>) offsets(%dma_start3A_5 : memref<80xi32, #tpu.memory_space<vmem>>) semaphore(%arg16 : memref<!tpu.dma_semaphore, #tpu.memory_space<semaphore_mem>>)
    %dma_start3A_9 = arith.constant 1 : i32
    %dma_start3A_10 = arith.constant 0 : i32
    %dma_start3A_11 = tpu.memref_slice %arg7[%dma_start3A_9, %dma_start3A_10] : memref<125x80xi32, #tpu.memory_space<vmem>> -> memref<1x80xi32, #tpu.memory_space<vmem>>
    %dma_start3A_12 = tpu.memref_squeeze %dma_start3A_11 : memref<1x80xi32, #tpu.memory_space<vmem>> -> memref<80xi32, #tpu.memory_space<vmem>>
    %dma_start3A_13 = arith.constant 0 : i32
    %dma_start3A_14 = arith.constant 0 : i32
    %dma_start3A_15 = tpu.memref_slice %arg2[%dma_start3A_13, %dma_start3A_14] : memref<10240x64xf32, #tpu.memory_space<hbm>> -> memref<10240x64xf32, #tpu.memory_space<hbm>>
    tpu.enqueue_indirect_dma source(%dma_start3A_15 : memref<10240x64xf32, #tpu.memory_space<hbm>>) target(%arg10 : memref<80x64xf32, #tpu.memory_space<vmem>>) offsets(%dma_start3A_12 : memref<80xi32, #tpu.memory_space<vmem>>) semaphore(%arg17 : memref<!tpu.dma_semaphore, #tpu.memory_space<semaphore_mem>>)
    %dma_start3A_16 = arith.constant 2 : i32
    %dma_start3A_17 = arith.constant 0 : i32
    %dma_start3A_18 = tpu.memref_slice %arg7[%dma_start3A_16, %dma_start3A_17] : memref<125x80xi32, #tpu.memory_space<vmem>> -> memref<1x80xi32, #tpu.memory_space<vmem>>
    %dma_start3A_19 = tpu.memref_squeeze %dma_start3A_18 : memref<1x80xi32, #tpu.memory_space<vmem>> -> memref<80xi32, #tpu.memory_space<vmem>>
    %dma_start3A_20 = arith.constant 0 : i32
    %dma_start3A_21 = arith.constant 0 : i32
    %dma_start3A_22 = tpu.memref_slice %arg2[%dma_start3A_20, %dma_start3A_21] : memref<10240x64xf32, #tpu.memory_space<hbm>> -> memref<10240x64xf32, #tpu.memory_space<hbm>>
    tpu.enqueue_indirect_dma source(%dma_start3A_22 : memref<10240x64xf32, #tpu.memory_space<hbm>>) target(%arg11 : memref<80x64xf32, #tpu.memory_space<vmem>>) offsets(%dma_start3A_19 : memref<80xi32, #tpu.memory_space<vmem>>) semaphore(%arg18 : memref<!tpu.dma_semaphore, #tpu.memory_space<semaphore_mem>>)
    %dma_start3A_23 = arith.constant 3 : i32
    %dma_start3A_24 = arith.constant 0 : i32
    %dma_start3A_25 = tpu.memref_slice %arg7[%dma_start3A_23, %dma_start3A_24] : memref<125x80xi32, #tpu.memory_space<vmem>> -> memref<1x80xi32, #tpu.memory_space<vmem>>
    %dma_start3A_26 = tpu.memref_squeeze %dma_start3A_25 : memref<1x80xi32, #tpu.memory_space<vmem>> -> memref<80xi32, #tpu.memory_space<vmem>>
    %dma_start3A_27 = arith.constant 0 : i32
    %dma_start3A_28 = arith.constant 0 : i32
    %dma_start3A_29 = tpu.memref_slice %arg2[%dma_start3A_27, %dma_start3A_28] : memref<10240x64xf32, #tpu.memory_space<hbm>> -> memref<10240x64xf32, #tpu.memory_space<hbm>>
    tpu.enqueue_indirect_dma source(%dma_start3A_29 : memref<10240x64xf32, #tpu.memory_space<hbm>>) target(%arg12 : memref<80x64xf32, #tpu.memory_space<vmem>>) offsets(%dma_start3A_26 : memref<80xi32, #tpu.memory_space<vmem>>) semaphore(%arg19 : memref<!tpu.dma_semaphore, #tpu.memory_space<semaphore_mem>>)
    %dma_start3A_30 = arith.constant 4 : i32
    %dma_start3A_31 = arith.constant 0 : i32
    %dma_start3A_32 = tpu.memref_slice %arg7[%dma_start3A_30, %dma_start3A_31] : memref<125x80xi32, #tpu.memory_space<vmem>> -> memref<1x80xi32, #tpu.memory_space<vmem>>
    %dma_start3A_33 = tpu.memref_squeeze %dma_start3A_32 : memref<1x80xi32, #tpu.memory_space<vmem>> -> memref<80xi32, #tpu.memory_space<vmem>>
    %dma_start3A_34 = arith.constant 0 : i32
    %dma_start3A_35 = arith.constant 0 : i32
    %dma_start3A_36 = tpu.memref_slice %arg2[%dma_start3A_34, %dma_start3A_35] : memref<10240x64xf32, #tpu.memory_space<hbm>> -> memref<10240x64xf32, #tpu.memory_space<hbm>>
    tpu.enqueue_indirect_dma source(%dma_start3A_36 : memref<10240x64xf32, #tpu.memory_space<hbm>>) target(%arg13 : memref<80x64xf32, #tpu.memory_space<vmem>>) offsets(%dma_start3A_33 : memref<80xi32, #tpu.memory_space<vmem>>) semaphore(%arg20 : memref<!tpu.dma_semaphore, #tpu.memory_space<semaphore_mem>>)
    %dma_start3A_37 = arith.constant 5 : i32
    %dma_start3A_38 = arith.constant 0 : i32
    %dma_start3A_39 = tpu.memref_slice %arg7[%dma_start3A_37, %dma_start3A_38] : memref<125x80xi32, #tpu.memory_space<vmem>> -> memref<1x80xi32, #tpu.memory_space<vmem>>
    %dma_start3A_40 = tpu.memref_squeeze %dma_start3A_39 : memref<1x80xi32, #tpu.memory_space<vmem>> -> memref<80xi32, #tpu.memory_space<vmem>>
    %dma_start3A_41 = arith.constant 0 : i32
    %dma_start3A_42 = arith.constant 0 : i32
    %dma_start3A_43 = tpu.memref_slice %arg2[%dma_start3A_41, %dma_start3A_42] : memref<10240x64xf32, #tpu.memory_space<hbm>> -> memref<10240x64xf32, #tpu.memory_space<hbm>>
    tpu.enqueue_indirect_dma source(%dma_start3A_43 : memref<10240x64xf32, #tpu.memory_space<hbm>>) target(%arg14 : memref<80x64xf32, #tpu.memory_space<vmem>>) offsets(%dma_start3A_40 : memref<80xi32, #tpu.memory_space<vmem>>) semaphore(%arg21 : memref<!tpu.dma_semaphore, #tpu.memory_space<semaphore_mem>>)
    %scan3A = arith.constant 0 : i32
    %scan3A_44 = arith.constant 0 : i32
    %scan3A_45 = arith.constant 20 : i32
    %scan3A_46 = arith.addi %scan3A_44, %scan3A_45 : i32
    %scan3A_47 = arith.constant 1 : i32
    scf.for %scan3A_154 = %scan3A_44 to %scan3A_46 step %scan3A_47  : i32 {
      %mul3A_155 = arith.constant 6 : i32
      %mul3A_156 = arith.muli %mul3A_155, %scan3A_154 : i32
      %add3A_157 = arith.constant 0 : i32
      %add3A_158 = arith.addi %mul3A_156, %add3A_157 : i32
      %dma_wait3A_159 = arith.constant 0 : i32
      %dma_wait3A_160 = tpu.memref_slice %arg7[%add3A_158, %dma_wait3A_159] : memref<125x80xi32, #tpu.memory_space<vmem>> -> memref<1x80xi32, #tpu.memory_space<vmem>>
      %dma_wait3A_161 = tpu.memref_squeeze %dma_wait3A_160 : memref<1x80xi32, #tpu.memory_space<vmem>> -> memref<80xi32, #tpu.memory_space<vmem>>
      %dma_wait3A_162 = arith.constant 0 : i32
      %dma_wait3A_163 = arith.constant 0 : i32
      %dma_wait3A_164 = tpu.memref_slice %arg2[%dma_wait3A_162, %dma_wait3A_163] : memref<10240x64xf32, #tpu.memory_space<hbm>> -> memref<10240x64xf32, #tpu.memory_space<hbm>>
      tpu.wait_indirect_dma semaphore(%arg16 : memref<!tpu.dma_semaphore, #tpu.memory_space<semaphore_mem>>) src(%dma_wait3A_164 : memref<10240x64xf32, #tpu.memory_space<hbm>>) dst(%arg9 : memref<80x64xf32, #tpu.memory_space<vmem>>)
      %add3A_165 = arith.constant 0 : i32
      %add3A_166 = arith.addi %mul3A_156, %add3A_165 : i32
      %dma_start3A_167 = arith.constant 0 : i32
      %dma_start3A_168 = tpu.memref_slice %arg8[%add3A_166, %dma_start3A_167] : memref<125x80xi32, #tpu.memory_space<vmem>> -> memref<1x80xi32, #tpu.memory_space<vmem>>
      %dma_start3A_169 = tpu.memref_squeeze %dma_start3A_168 : memref<1x80xi32, #tpu.memory_space<vmem>> -> memref<80xi32, #tpu.memory_space<vmem>>
      %dma_start3A_170 = arith.constant 0 : i32
      %dma_start3A_171 = arith.constant 0 : i32
      %dma_start3A_172 = tpu.memref_slice %arg15[%dma_start3A_170, %dma_start3A_171] : memref<10000x64xf32, #tpu.memory_space<vmem_shared>> -> memref<10000x64xf32, #tpu.memory_space<vmem_shared>>
      tpu.enqueue_indirect_dma source(%arg9 : memref<80x64xf32, #tpu.memory_space<vmem>>) target(%dma_start3A_172 : memref<10000x64xf32, #tpu.memory_space<vmem_shared>>) offsets(%dma_start3A_169 : memref<80xi32, #tpu.memory_space<vmem>>) semaphore(%arg22 : memref<!tpu.dma_semaphore, #tpu.memory_space<semaphore_mem>>) {add = true}
      %add3A_173 = arith.constant 1 : i32
      %add3A_174 = arith.addi %mul3A_156, %add3A_173 : i32
      %dma_wait3A_175 = arith.constant 0 : i32
      %dma_wait3A_176 = tpu.memref_slice %arg7[%add3A_174, %dma_wait3A_175] : memref<125x80xi32, #tpu.memory_space<vmem>> -> memref<1x80xi32, #tpu.memory_space<vmem>>
      %dma_wait3A_177 = tpu.memref_squeeze %dma_wait3A_176 : memref<1x80xi32, #tpu.memory_space<vmem>> -> memref<80xi32, #tpu.memory_space<vmem>>
      %dma_wait3A_178 = arith.constant 0 : i32
      %dma_wait3A_179 = arith.constant 0 : i32
      %dma_wait3A_180 = tpu.memref_slice %arg2[%dma_wait3A_178, %dma_wait3A_179] : memref<10240x64xf32, #tpu.memory_space<hbm>> -> memref<10240x64xf32, #tpu.memory_space<hbm>>
      tpu.wait_indirect_dma semaphore(%arg17 : memref<!tpu.dma_semaphore, #tpu.memory_space<semaphore_mem>>) src(%dma_wait3A_180 : memref<10240x64xf32, #tpu.memory_space<hbm>>) dst(%arg10 : memref<80x64xf32, #tpu.memory_space<vmem>>)
      %add3A_181 = arith.constant 1 : i32
      %add3A_182 = arith.addi %mul3A_156, %add3A_181 : i32
      %dma_start3A_183 = arith.constant 0 : i32
      %dma_start3A_184 = tpu.memref_slice %arg8[%add3A_182, %dma_start3A_183] : memref<125x80xi32, #tpu.memory_space<vmem>> -> memref<1x80xi32, #tpu.memory_space<vmem>>
      %dma_start3A_185 = tpu.memref_squeeze %dma_start3A_184 : memref<1x80xi32, #tpu.memory_space<vmem>> -> memref<80xi32, #tpu.memory_space<vmem>>
      %dma_start3A_186 = arith.constant 0 : i32
      %dma_start3A_187 = arith.constant 0 : i32
      %dma_start3A_188 = tpu.memref_slice %arg15[%dma_start3A_186, %dma_start3A_187] : memref<10000x64xf32, #tpu.memory_space<vmem_shared>> -> memref<10000x64xf32, #tpu.memory_space<vmem_shared>>
      tpu.enqueue_indirect_dma source(%arg10 : memref<80x64xf32, #tpu.memory_space<vmem>>) target(%dma_start3A_188 : memref<10000x64xf32, #tpu.memory_space<vmem_shared>>) offsets(%dma_start3A_185 : memref<80xi32, #tpu.memory_space<vmem>>) semaphore(%arg23 : memref<!tpu.dma_semaphore, #tpu.memory_space<semaphore_mem>>) {add = true}
      %add3A_189 = arith.constant 2 : i32
      %add3A_190 = arith.addi %mul3A_156, %add3A_189 : i32
      %dma_wait3A_191 = arith.constant 0 : i32
      %dma_wait3A_192 = tpu.memref_slice %arg7[%add3A_190, %dma_wait3A_191] : memref<125x80xi32, #tpu.memory_space<vmem>> -> memref<1x80xi32, #tpu.memory_space<vmem>>
      %dma_wait3A_193 = tpu.memref_squeeze %dma_wait3A_192 : memref<1x80xi32, #tpu.memory_space<vmem>> -> memref<80xi32, #tpu.memory_space<vmem>>
      %dma_wait3A_194 = arith.constant 0 : i32
      %dma_wait3A_195 = arith.constant 0 : i32
      %dma_wait3A_196 = tpu.memref_slice %arg2[%dma_wait3A_194, %dma_wait3A_195] : memref<10240x64xf32, #tpu.memory_space<hbm>> -> memref<10240x64xf32, #tpu.memory_space<hbm>>
      tpu.wait_indirect_dma semaphore(%arg18 : memref<!tpu.dma_semaphore, #tpu.memory_space<semaphore_mem>>) src(%dma_wait3A_196 : memref<10240x64xf32, #tpu.memory_space<hbm>>) dst(%arg11 : memref<80x64xf32, #tpu.memory_space<vmem>>)
      %add3A_197 = arith.constant 2 : i32
      %add3A_198 = arith.addi %mul3A_156, %add3A_197 : i32
      %dma_start3A_199 = arith.constant 0 : i32
      %dma_start3A_200 = tpu.memref_slice %arg8[%add3A_198, %dma_start3A_199] : memref<125x80xi32, #tpu.memory_space<vmem>> -> memref<1x80xi32, #tpu.memory_space<vmem>>
      %dma_start3A_201 = tpu.memref_squeeze %dma_start3A_200 : memref<1x80xi32, #tpu.memory_space<vmem>> -> memref<80xi32, #tpu.memory_space<vmem>>
      %dma_start3A_202 = arith.constant 0 : i32
      %dma_start3A_203 = arith.constant 0 : i32
      %dma_start3A_204 = tpu.memref_slice %arg15[%dma_start3A_202, %dma_start3A_203] : memref<10000x64xf32, #tpu.memory_space<vmem_shared>> -> memref<10000x64xf32, #tpu.memory_space<vmem_shared>>
      tpu.enqueue_indirect_dma source(%arg11 : memref<80x64xf32, #tpu.memory_space<vmem>>) target(%dma_start3A_204 : memref<10000x64xf32, #tpu.memory_space<vmem_shared>>) offsets(%dma_start3A_201 : memref<80xi32, #tpu.memory_space<vmem>>) semaphore(%arg24 : memref<!tpu.dma_semaphore, #tpu.memory_space<semaphore_mem>>) {add = true}
      %add3A_205 = arith.constant 3 : i32
      %add3A_206 = arith.addi %mul3A_156, %add3A_205 : i32
      %dma_wait3A_207 = arith.constant 0 : i32
      %dma_wait3A_208 = tpu.memref_slice %arg7[%add3A_206, %dma_wait3A_207] : memref<125x80xi32, #tpu.memory_space<vmem>> -> memref<1x80xi32, #tpu.memory_space<vmem>>
      %dma_wait3A_209 = tpu.memref_squeeze %dma_wait3A_208 : memref<1x80xi32, #tpu.memory_space<vmem>> -> memref<80xi32, #tpu.memory_space<vmem>>
      %dma_wait3A_210 = arith.constant 0 : i32
      %dma_wait3A_211 = arith.constant 0 : i32
      %dma_wait3A_212 = tpu.memref_slice %arg2[%dma_wait3A_210, %dma_wait3A_211] : memref<10240x64xf32, #tpu.memory_space<hbm>> -> memref<10240x64xf32, #tpu.memory_space<hbm>>
      tpu.wait_indirect_dma semaphore(%arg19 : memref<!tpu.dma_semaphore, #tpu.memory_space<semaphore_mem>>) src(%dma_wait3A_212 : memref<10240x64xf32, #tpu.memory_space<hbm>>) dst(%arg12 : memref<80x64xf32, #tpu.memory_space<vmem>>)
      %add3A_213 = arith.constant 3 : i32
      %add3A_214 = arith.addi %mul3A_156, %add3A_213 : i32
      %dma_start3A_215 = arith.constant 0 : i32
      %dma_start3A_216 = tpu.memref_slice %arg8[%add3A_214, %dma_start3A_215] : memref<125x80xi32, #tpu.memory_space<vmem>> -> memref<1x80xi32, #tpu.memory_space<vmem>>
      %dma_start3A_217 = tpu.memref_squeeze %dma_start3A_216 : memref<1x80xi32, #tpu.memory_space<vmem>> -> memref<80xi32, #tpu.memory_space<vmem>>
      %dma_start3A_218 = arith.constant 0 : i32
      %dma_start3A_219 = arith.constant 0 : i32
      %dma_start3A_220 = tpu.memref_slice %arg15[%dma_start3A_218, %dma_start3A_219] : memref<10000x64xf32, #tpu.memory_space<vmem_shared>> -> memref<10000x64xf32, #tpu.memory_space<vmem_shared>>
      tpu.enqueue_indirect_dma source(%arg12 : memref<80x64xf32, #tpu.memory_space<vmem>>) target(%dma_start3A_220 : memref<10000x64xf32, #tpu.memory_space<vmem_shared>>) offsets(%dma_start3A_217 : memref<80xi32, #tpu.memory_space<vmem>>) semaphore(%arg25 : memref<!tpu.dma_semaphore, #tpu.memory_space<semaphore_mem>>) {add = true}
      %add3A_221 = arith.constant 4 : i32
      %add3A_222 = arith.addi %mul3A_156, %add3A_221 : i32
      %dma_wait3A_223 = arith.constant 0 : i32
      %dma_wait3A_224 = tpu.memref_slice %arg7[%add3A_222, %dma_wait3A_223] : memref<125x80xi32, #tpu.memory_space<vmem>> -> memref<1x80xi32, #tpu.memory_space<vmem>>
      %dma_wait3A_225 = tpu.memref_squeeze %dma_wait3A_224 : memref<1x80xi32, #tpu.memory_space<vmem>> -> memref<80xi32, #tpu.memory_space<vmem>>
      %dma_wait3A_226 = arith.constant 0 : i32
      %dma_wait3A_227 = arith.constant 0 : i32
      %dma_wait3A_228 = tpu.memref_slice %arg2[%dma_wait3A_226, %dma_wait3A_227] : memref<10240x64xf32, #tpu.memory_space<hbm>> -> memref<10240x64xf32, #tpu.memory_space<hbm>>
      tpu.wait_indirect_dma semaphore(%arg20 : memref<!tpu.dma_semaphore, #tpu.memory_space<semaphore_mem>>) src(%dma_wait3A_228 : memref<10240x64xf32, #tpu.memory_space<hbm>>) dst(%arg13 : memref<80x64xf32, #tpu.memory_space<vmem>>)
      %add3A_229 = arith.constant 4 : i32
      %add3A_230 = arith.addi %mul3A_156, %add3A_229 : i32
      %dma_start3A_231 = arith.constant 0 : i32
      %dma_start3A_232 = tpu.memref_slice %arg8[%add3A_230, %dma_start3A_231] : memref<125x80xi32, #tpu.memory_space<vmem>> -> memref<1x80xi32, #tpu.memory_space<vmem>>
      %dma_start3A_233 = tpu.memref_squeeze %dma_start3A_232 : memref<1x80xi32, #tpu.memory_space<vmem>> -> memref<80xi32, #tpu.memory_space<vmem>>
      %dma_start3A_234 = arith.constant 0 : i32
      %dma_start3A_235 = arith.constant 0 : i32
      %dma_start3A_236 = tpu.memref_slice %arg15[%dma_start3A_234, %dma_start3A_235] : memref<10000x64xf32, #tpu.memory_space<vmem_shared>> -> memref<10000x64xf32, #tpu.memory_space<vmem_shared>>
      tpu.enqueue_indirect_dma source(%arg13 : memref<80x64xf32, #tpu.memory_space<vmem>>) target(%dma_start3A_236 : memref<10000x64xf32, #tpu.memory_space<vmem_shared>>) offsets(%dma_start3A_233 : memref<80xi32, #tpu.memory_space<vmem>>) semaphore(%arg26 : memref<!tpu.dma_semaphore, #tpu.memory_space<semaphore_mem>>) {add = true}
      %add3A_237 = arith.constant 5 : i32
      %add3A_238 = arith.addi %mul3A_156, %add3A_237 : i32
      %dma_wait3A_239 = arith.constant 0 : i32
      %dma_wait3A_240 = tpu.memref_slice %arg7[%add3A_238, %dma_wait3A_239] : memref<125x80xi32, #tpu.memory_space<vmem>> -> memref<1x80xi32, #tpu.memory_space<vmem>>
      %dma_wait3A_241 = tpu.memref_squeeze %dma_wait3A_240 : memref<1x80xi32, #tpu.memory_space<vmem>> -> memref<80xi32, #tpu.memory_space<vmem>>
      %dma_wait3A_242 = arith.constant 0 : i32
      %dma_wait3A_243 = arith.constant 0 : i32
      %dma_wait3A_244 = tpu.memref_slice %arg2[%dma_wait3A_242, %dma_wait3A_243] : memref<10240x64xf32, #tpu.memory_space<hbm>> -> memref<10240x64xf32, #tpu.memory_space<hbm>>
      tpu.wait_indirect_dma semaphore(%arg21 : memref<!tpu.dma_semaphore, #tpu.memory_space<semaphore_mem>>) src(%dma_wait3A_244 : memref<10240x64xf32, #tpu.memory_space<hbm>>) dst(%arg14 : memref<80x64xf32, #tpu.memory_space<vmem>>)
      %add3A_245 = arith.constant 5 : i32
      %add3A_246 = arith.addi %mul3A_156, %add3A_245 : i32
      %dma_start3A_247 = arith.constant 0 : i32
      %dma_start3A_248 = tpu.memref_slice %arg8[%add3A_246, %dma_start3A_247] : memref<125x80xi32, #tpu.memory_space<vmem>> -> memref<1x80xi32, #tpu.memory_space<vmem>>
      %dma_start3A_249 = tpu.memref_squeeze %dma_start3A_248 : memref<1x80xi32, #tpu.memory_space<vmem>> -> memref<80xi32, #tpu.memory_space<vmem>>
      %dma_start3A_250 = arith.constant 0 : i32
      %dma_start3A_251 = arith.constant 0 : i32
      %dma_start3A_252 = tpu.memref_slice %arg15[%dma_start3A_250, %dma_start3A_251] : memref<10000x64xf32, #tpu.memory_space<vmem_shared>> -> memref<10000x64xf32, #tpu.memory_space<vmem_shared>>
      tpu.enqueue_indirect_dma source(%arg14 : memref<80x64xf32, #tpu.memory_space<vmem>>) target(%dma_start3A_252 : memref<10000x64xf32, #tpu.memory_space<vmem_shared>>) offsets(%dma_start3A_249 : memref<80xi32, #tpu.memory_space<vmem>>) semaphore(%arg27 : memref<!tpu.dma_semaphore, #tpu.memory_space<semaphore_mem>>) {add = true}
      %add3A_253 = arith.constant 0 : i32
      %add3A_254 = arith.addi %mul3A_156, %add3A_253 : i32
      %dma_wait3A_255 = arith.constant 0 : i32
      %dma_wait3A_256 = tpu.memref_slice %arg8[%add3A_254, %dma_wait3A_255] : memref<125x80xi32, #tpu.memory_space<vmem>> -> memref<1x80xi32, #tpu.memory_space<vmem>>
      %dma_wait3A_257 = tpu.memref_squeeze %dma_wait3A_256 : memref<1x80xi32, #tpu.memory_space<vmem>> -> memref<80xi32, #tpu.memory_space<vmem>>
      %dma_wait3A_258 = arith.constant 0 : i32
      %dma_wait3A_259 = arith.constant 0 : i32
      %dma_wait3A_260 = tpu.memref_slice %arg15[%dma_wait3A_258, %dma_wait3A_259] : memref<10000x64xf32, #tpu.memory_space<vmem_shared>> -> memref<10000x64xf32, #tpu.memory_space<vmem_shared>>
      tpu.wait_indirect_dma semaphore(%arg22 : memref<!tpu.dma_semaphore, #tpu.memory_space<semaphore_mem>>) src(%arg9 : memref<80x64xf32, #tpu.memory_space<vmem>>) dst(%dma_wait3A_260 : memref<10000x64xf32, #tpu.memory_space<vmem_shared>>)
      %add3A_261 = arith.constant 6 : i32
      %add3A_262 = arith.addi %mul3A_156, %add3A_261 : i32
      %add3A_263 = arith.constant 0 : i32
      %add3A_264 = arith.addi %add3A_262, %add3A_263 : i32
      %lt3A = arith.constant 125 : i32
      %lt3A_265 = arith.cmpi slt, %add3A_264, %lt3A : i32
      %convert_element_type3A = arith.extui %lt3A_265 : i1 to i32
      %cond3A = arith.constant 0 : i32
      %cond3A_266 = arith.cmpi ne, %convert_element_type3A, %cond3A : i32
      scf.if %cond3A_266 {
        %dma_start3A_352 = arith.constant 0 : i32
        %dma_start3A_353 = tpu.memref_slice %arg7[%add3A_264, %dma_start3A_352] : memref<125x80xi32, #tpu.memory_space<vmem>> -> memref<1x80xi32, #tpu.memory_space<vmem>>
        %dma_start3A_354 = tpu.memref_squeeze %dma_start3A_353 : memref<1x80xi32, #tpu.memory_space<vmem>> -> memref<80xi32, #tpu.memory_space<vmem>>
        %dma_start3A_355 = arith.constant 0 : i32
        %dma_start3A_356 = arith.constant 0 : i32
        %dma_start3A_357 = tpu.memref_slice %arg2[%dma_start3A_355, %dma_start3A_356] : memref<10240x64xf32, #tpu.memory_space<hbm>> -> memref<10240x64xf32, #tpu.memory_space<hbm>>
        tpu.enqueue_indirect_dma source(%dma_start3A_357 : memref<10240x64xf32, #tpu.memory_space<hbm>>) target(%arg9 : memref<80x64xf32, #tpu.memory_space<vmem>>) offsets(%dma_start3A_354 : memref<80xi32, #tpu.memory_space<vmem>>) semaphore(%arg16 : memref<!tpu.dma_semaphore, #tpu.memory_space<semaphore_mem>>)
      } else {
      }
      %add3A_267 = arith.constant 1 : i32
      %add3A_268 = arith.addi %mul3A_156, %add3A_267 : i32
      %dma_wait3A_269 = arith.constant 0 : i32
      %dma_wait3A_270 = tpu.memref_slice %arg8[%add3A_268, %dma_wait3A_269] : memref<125x80xi32, #tpu.memory_space<vmem>> -> memref<1x80xi32, #tpu.memory_space<vmem>>
      %dma_wait3A_271 = tpu.memref_squeeze %dma_wait3A_270 : memref<1x80xi32, #tpu.memory_space<vmem>> -> memref<80xi32, #tpu.memory_space<vmem>>
      %dma_wait3A_272 = arith.constant 0 : i32
      %dma_wait3A_273 = arith.constant 0 : i32
      %dma_wait3A_274 = tpu.memref_slice %arg15[%dma_wait3A_272, %dma_wait3A_273] : memref<10000x64xf32, #tpu.memory_space<vmem_shared>> -> memref<10000x64xf32, #tpu.memory_space<vmem_shared>>
      tpu.wait_indirect_dma semaphore(%arg23 : memref<!tpu.dma_semaphore, #tpu.memory_space<semaphore_mem>>) src(%arg10 : memref<80x64xf32, #tpu.memory_space<vmem>>) dst(%dma_wait3A_274 : memref<10000x64xf32, #tpu.memory_space<vmem_shared>>)
      %add3A_275 = arith.constant 6 : i32
      %add3A_276 = arith.addi %mul3A_156, %add3A_275 : i32
      %add3A_277 = arith.constant 1 : i32
      %add3A_278 = arith.addi %add3A_276, %add3A_277 : i32
      %lt3A_279 = arith.constant 125 : i32
      %lt3A_280 = arith.cmpi slt, %add3A_278, %lt3A_279 : i32
      %convert_element_type3A_281 = arith.extui %lt3A_280 : i1 to i32
      %cond3A_282 = arith.constant 0 : i32
      %cond3A_283 = arith.cmpi ne, %convert_element_type3A_281, %cond3A_282 : i32
      scf.if %cond3A_283 {
        %dma_start3A_352 = arith.constant 0 : i32
        %dma_start3A_353 = tpu.memref_slice %arg7[%add3A_278, %dma_start3A_352] : memref<125x80xi32, #tpu.memory_space<vmem>> -> memref<1x80xi32, #tpu.memory_space<vmem>>
        %dma_start3A_354 = tpu.memref_squeeze %dma_start3A_353 : memref<1x80xi32, #tpu.memory_space<vmem>> -> memref<80xi32, #tpu.memory_space<vmem>>
        %dma_start3A_355 = arith.constant 0 : i32
        %dma_start3A_356 = arith.constant 0 : i32
        %dma_start3A_357 = tpu.memref_slice %arg2[%dma_start3A_355, %dma_start3A_356] : memref<10240x64xf32, #tpu.memory_space<hbm>> -> memref<10240x64xf32, #tpu.memory_space<hbm>>
        tpu.enqueue_indirect_dma source(%dma_start3A_357 : memref<10240x64xf32, #tpu.memory_space<hbm>>) target(%arg10 : memref<80x64xf32, #tpu.memory_space<vmem>>) offsets(%dma_start3A_354 : memref<80xi32, #tpu.memory_space<vmem>>) semaphore(%arg17 : memref<!tpu.dma_semaphore, #tpu.memory_space<semaphore_mem>>)
      } else {
      }
      %add3A_284 = arith.constant 2 : i32
      %add3A_285 = arith.addi %mul3A_156, %add3A_284 : i32
      %dma_wait3A_286 = arith.constant 0 : i32
      %dma_wait3A_287 = tpu.memref_slice %arg8[%add3A_285, %dma_wait3A_286] : memref<125x80xi32, #tpu.memory_space<vmem>> -> memref<1x80xi32, #tpu.memory_space<vmem>>
      %dma_wait3A_288 = tpu.memref_squeeze %dma_wait3A_287 : memref<1x80xi32, #tpu.memory_space<vmem>> -> memref<80xi32, #tpu.memory_space<vmem>>
      %dma_wait3A_289 = arith.constant 0 : i32
      %dma_wait3A_290 = arith.constant 0 : i32
      %dma_wait3A_291 = tpu.memref_slice %arg15[%dma_wait3A_289, %dma_wait3A_290] : memref<10000x64xf32, #tpu.memory_space<vmem_shared>> -> memref<10000x64xf32, #tpu.memory_space<vmem_shared>>
      tpu.wait_indirect_dma semaphore(%arg24 : memref<!tpu.dma_semaphore, #tpu.memory_space<semaphore_mem>>) src(%arg11 : memref<80x64xf32, #tpu.memory_space<vmem>>) dst(%dma_wait3A_291 : memref<10000x64xf32, #tpu.memory_space<vmem_shared>>)
      %add3A_292 = arith.constant 6 : i32
      %add3A_293 = arith.addi %mul3A_156, %add3A_292 : i32
      %add3A_294 = arith.constant 2 : i32
      %add3A_295 = arith.addi %add3A_293, %add3A_294 : i32
      %lt3A_296 = arith.constant 125 : i32
      %lt3A_297 = arith.cmpi slt, %add3A_295, %lt3A_296 : i32
      %convert_element_type3A_298 = arith.extui %lt3A_297 : i1 to i32
      %cond3A_299 = arith.constant 0 : i32
      %cond3A_300 = arith.cmpi ne, %convert_element_type3A_298, %cond3A_299 : i32
      scf.if %cond3A_300 {
        %dma_start3A_352 = arith.constant 0 : i32
        %dma_start3A_353 = tpu.memref_slice %arg7[%add3A_295, %dma_start3A_352] : memref<125x80xi32, #tpu.memory_space<vmem>> -> memref<1x80xi32, #tpu.memory_space<vmem>>
        %dma_start3A_354 = tpu.memref_squeeze %dma_start3A_353 : memref<1x80xi32, #tpu.memory_space<vmem>> -> memref<80xi32, #tpu.memory_space<vmem>>
        %dma_start3A_355 = arith.constant 0 : i32
        %dma_start3A_356 = arith.constant 0 : i32
        %dma_start3A_357 = tpu.memref_slice %arg2[%dma_start3A_355, %dma_start3A_356] : memref<10240x64xf32, #tpu.memory_space<hbm>> -> memref<10240x64xf32, #tpu.memory_space<hbm>>
        tpu.enqueue_indirect_dma source(%dma_start3A_357 : memref<10240x64xf32, #tpu.memory_space<hbm>>) target(%arg11 : memref<80x64xf32, #tpu.memory_space<vmem>>) offsets(%dma_start3A_354 : memref<80xi32, #tpu.memory_space<vmem>>) semaphore(%arg18 : memref<!tpu.dma_semaphore, #tpu.memory_space<semaphore_mem>>)
      } else {
      }
      %add3A_301 = arith.constant 3 : i32
      %add3A_302 = arith.addi %mul3A_156, %add3A_301 : i32
      %dma_wait3A_303 = arith.constant 0 : i32
      %dma_wait3A_304 = tpu.memref_slice %arg8[%add3A_302, %dma_wait3A_303] : memref<125x80xi32, #tpu.memory_space<vmem>> -> memref<1x80xi32, #tpu.memory_space<vmem>>
      %dma_wait3A_305 = tpu.memref_squeeze %dma_wait3A_304 : memref<1x80xi32, #tpu.memory_space<vmem>> -> memref<80xi32, #tpu.memory_space<vmem>>
      %dma_wait3A_306 = arith.constant 0 : i32
      %dma_wait3A_307 = arith.constant 0 : i32
      %dma_wait3A_308 = tpu.memref_slice %arg15[%dma_wait3A_306, %dma_wait3A_307] : memref<10000x64xf32, #tpu.memory_space<vmem_shared>> -> memref<10000x64xf32, #tpu.memory_space<vmem_shared>>
      tpu.wait_indirect_dma semaphore(%arg25 : memref<!tpu.dma_semaphore, #tpu.memory_space<semaphore_mem>>) src(%arg12 : memref<80x64xf32, #tpu.memory_space<vmem>>) dst(%dma_wait3A_308 : memref<10000x64xf32, #tpu.memory_space<vmem_shared>>)
      %add3A_309 = arith.constant 6 : i32
      %add3A_310 = arith.addi %mul3A_156, %add3A_309 : i32
      %add3A_311 = arith.constant 3 : i32
      %add3A_312 = arith.addi %add3A_310, %add3A_311 : i32
      %lt3A_313 = arith.constant 125 : i32
      %lt3A_314 = arith.cmpi slt, %add3A_312, %lt3A_313 : i32
      %convert_element_type3A_315 = arith.extui %lt3A_314 : i1 to i32
      %cond3A_316 = arith.constant 0 : i32
      %cond3A_317 = arith.cmpi ne, %convert_element_type3A_315, %cond3A_316 : i32
      scf.if %cond3A_317 {
        %dma_start3A_352 = arith.constant 0 : i32
        %dma_start3A_353 = tpu.memref_slice %arg7[%add3A_312, %dma_start3A_352] : memref<125x80xi32, #tpu.memory_space<vmem>> -> memref<1x80xi32, #tpu.memory_space<vmem>>
        %dma_start3A_354 = tpu.memref_squeeze %dma_start3A_353 : memref<1x80xi32, #tpu.memory_space<vmem>> -> memref<80xi32, #tpu.memory_space<vmem>>
        %dma_start3A_355 = arith.constant 0 : i32
        %dma_start3A_356 = arith.constant 0 : i32
        %dma_start3A_357 = tpu.memref_slice %arg2[%dma_start3A_355, %dma_start3A_356] : memref<10240x64xf32, #tpu.memory_space<hbm>> -> memref<10240x64xf32, #tpu.memory_space<hbm>>
        tpu.enqueue_indirect_dma source(%dma_start3A_357 : memref<10240x64xf32, #tpu.memory_space<hbm>>) target(%arg12 : memref<80x64xf32, #tpu.memory_space<vmem>>) offsets(%dma_start3A_354 : memref<80xi32, #tpu.memory_space<vmem>>) semaphore(%arg19 : memref<!tpu.dma_semaphore, #tpu.memory_space<semaphore_mem>>)
      } else {
      }
      %add3A_318 = arith.constant 4 : i32
      %add3A_319 = arith.addi %mul3A_156, %add3A_318 : i32
      %dma_wait3A_320 = arith.constant 0 : i32
      %dma_wait3A_321 = tpu.memref_slice %arg8[%add3A_319, %dma_wait3A_320] : memref<125x80xi32, #tpu.memory_space<vmem>> -> memref<1x80xi32, #tpu.memory_space<vmem>>
      %dma_wait3A_322 = tpu.memref_squeeze %dma_wait3A_321 : memref<1x80xi32, #tpu.memory_space<vmem>> -> memref<80xi32, #tpu.memory_space<vmem>>
      %dma_wait3A_323 = arith.constant 0 : i32
      %dma_wait3A_324 = arith.constant 0 : i32
      %dma_wait3A_325 = tpu.memref_slice %arg15[%dma_wait3A_323, %dma_wait3A_324] : memref<10000x64xf32, #tpu.memory_space<vmem_shared>> -> memref<10000x64xf32, #tpu.memory_space<vmem_shared>>
      tpu.wait_indirect_dma semaphore(%arg26 : memref<!tpu.dma_semaphore, #tpu.memory_space<semaphore_mem>>) src(%arg13 : memref<80x64xf32, #tpu.memory_space<vmem>>) dst(%dma_wait3A_325 : memref<10000x64xf32, #tpu.memory_space<vmem_shared>>)
      %add3A_326 = arith.constant 6 : i32
      %add3A_327 = arith.addi %mul3A_156, %add3A_326 : i32
      %add3A_328 = arith.constant 4 : i32
      %add3A_329 = arith.addi %add3A_327, %add3A_328 : i32
      %lt3A_330 = arith.constant 125 : i32
      %lt3A_331 = arith.cmpi slt, %add3A_329, %lt3A_330 : i32
      %convert_element_type3A_332 = arith.extui %lt3A_331 : i1 to i32
      %cond3A_333 = arith.constant 0 : i32
      %cond3A_334 = arith.cmpi ne, %convert_element_type3A_332, %cond3A_333 : i32
      scf.if %cond3A_334 {
        %dma_start3A_352 = arith.constant 0 : i32
        %dma_start3A_353 = tpu.memref_slice %arg7[%add3A_329, %dma_start3A_352] : memref<125x80xi32, #tpu.memory_space<vmem>> -> memref<1x80xi32, #tpu.memory_space<vmem>>
        %dma_start3A_354 = tpu.memref_squeeze %dma_start3A_353 : memref<1x80xi32, #tpu.memory_space<vmem>> -> memref<80xi32, #tpu.memory_space<vmem>>
        %dma_start3A_355 = arith.constant 0 : i32
        %dma_start3A_356 = arith.constant 0 : i32
        %dma_start3A_357 = tpu.memref_slice %arg2[%dma_start3A_355, %dma_start3A_356] : memref<10240x64xf32, #tpu.memory_space<hbm>> -> memref<10240x64xf32, #tpu.memory_space<hbm>>
        tpu.enqueue_indirect_dma source(%dma_start3A_357 : memref<10240x64xf32, #tpu.memory_space<hbm>>) target(%arg13 : memref<80x64xf32, #tpu.memory_space<vmem>>) offsets(%dma_start3A_354 : memref<80xi32, #tpu.memory_space<vmem>>) semaphore(%arg20 : memref<!tpu.dma_semaphore, #tpu.memory_space<semaphore_mem>>)
      } else {
      }
      %add3A_335 = arith.constant 5 : i32
      %add3A_336 = arith.addi %mul3A_156, %add3A_335 : i32
      %dma_wait3A_337 = arith.constant 0 : i32
      %dma_wait3A_338 = tpu.memref_slice %arg8[%add3A_336, %dma_wait3A_337] : memref<125x80xi32, #tpu.memory_space<vmem>> -> memref<1x80xi32, #tpu.memory_space<vmem>>
      %dma_wait3A_339 = tpu.memref_squeeze %dma_wait3A_338 : memref<1x80xi32, #tpu.memory_space<vmem>> -> memref<80xi32, #tpu.memory_space<vmem>>
      %dma_wait3A_340 = arith.constant 0 : i32
      %dma_wait3A_341 = arith.constant 0 : i32
      %dma_wait3A_342 = tpu.memref_slice %arg15[%dma_wait3A_340, %dma_wait3A_341] : memref<10000x64xf32, #tpu.memory_space<vmem_shared>> -> memref<10000x64xf32, #tpu.memory_space<vmem_shared>>
      tpu.wait_indirect_dma semaphore(%arg27 : memref<!tpu.dma_semaphore, #tpu.memory_space<semaphore_mem>>) src(%arg14 : memref<80x64xf32, #tpu.memory_space<vmem>>) dst(%dma_wait3A_342 : memref<10000x64xf32, #tpu.memory_space<vmem_shared>>)
      %add3A_343 = arith.constant 6 : i32
      %add3A_344 = arith.addi %mul3A_156, %add3A_343 : i32
      %add3A_345 = arith.constant 5 : i32
      %add3A_346 = arith.addi %add3A_344, %add3A_345 : i32
      %lt3A_347 = arith.constant 125 : i32
      %lt3A_348 = arith.cmpi slt, %add3A_346, %lt3A_347 : i32
      %convert_element_type3A_349 = arith.extui %lt3A_348 : i1 to i32
      %cond3A_350 = arith.constant 0 : i32
      %cond3A_351 = arith.cmpi ne, %convert_element_type3A_349, %cond3A_350 : i32
      scf.if %cond3A_351 {
        %dma_start3A_352 = arith.constant 0 : i32
        %dma_start3A_353 = tpu.memref_slice %arg7[%add3A_346, %dma_start3A_352] : memref<125x80xi32, #tpu.memory_space<vmem>> -> memref<1x80xi32, #tpu.memory_space<vmem>>
        %dma_start3A_354 = tpu.memref_squeeze %dma_start3A_353 : memref<1x80xi32, #tpu.memory_space<vmem>> -> memref<80xi32, #tpu.memory_space<vmem>>
        %dma_start3A_355 = arith.constant 0 : i32
        %dma_start3A_356 = arith.constant 0 : i32
        %dma_start3A_357 = tpu.memref_slice %arg2[%dma_start3A_355, %dma_start3A_356] : memref<10240x64xf32, #tpu.memory_space<hbm>> -> memref<10240x64xf32, #tpu.memory_space<hbm>>
        tpu.enqueue_indirect_dma source(%dma_start3A_357 : memref<10240x64xf32, #tpu.memory_space<hbm>>) target(%arg14 : memref<80x64xf32, #tpu.memory_space<vmem>>) offsets(%dma_start3A_354 : memref<80xi32, #tpu.memory_space<vmem>>) semaphore(%arg21 : memref<!tpu.dma_semaphore, #tpu.memory_space<semaphore_mem>>)
      } else {
      }
    }
    %scan3A_48 = arith.constant 20 : i32
    %dma_wait3A = arith.constant 120 : i32
    %dma_wait3A_49 = arith.constant 0 : i32
    %dma_wait3A_50 = tpu.memref_slice %arg7[%dma_wait3A, %dma_wait3A_49] : memref<125x80xi32, #tpu.memory_space<vmem>> -> memref<1x80xi32, #tpu.memory_space<vmem>>
    %dma_wait3A_51 = tpu.memref_squeeze %dma_wait3A_50 : memref<1x80xi32, #tpu.memory_space<vmem>> -> memref<80xi32, #tpu.memory_space<vmem>>
    %dma_wait3A_52 = arith.constant 0 : i32
    %dma_wait3A_53 = arith.constant 0 : i32
    %dma_wait3A_54 = tpu.memref_slice %arg2[%dma_wait3A_52, %dma_wait3A_53] : memref<10240x64xf32, #tpu.memory_space<hbm>> -> memref<10240x64xf32, #tpu.memory_space<hbm>>
    tpu.wait_indirect_dma semaphore(%arg16 : memref<!tpu.dma_semaphore, #tpu.memory_space<semaphore_mem>>) src(%dma_wait3A_54 : memref<10240x64xf32, #tpu.memory_space<hbm>>) dst(%arg9 : memref<80x64xf32, #tpu.memory_space<vmem>>)
    %dma_start3A_55 = arith.constant 120 : i32
    %dma_start3A_56 = arith.constant 0 : i32
    %dma_start3A_57 = tpu.memref_slice %arg8[%dma_start3A_55, %dma_start3A_56] : memref<125x80xi32, #tpu.memory_space<vmem>> -> memref<1x80xi32, #tpu.memory_space<vmem>>
    %dma_start3A_58 = tpu.memref_squeeze %dma_start3A_57 : memref<1x80xi32, #tpu.memory_space<vmem>> -> memref<80xi32, #tpu.memory_space<vmem>>
    %dma_start3A_59 = arith.constant 0 : i32
    %dma_start3A_60 = arith.constant 0 : i32
    %dma_start3A_61 = tpu.memref_slice %arg15[%dma_start3A_59, %dma_start3A_60] : memref<10000x64xf32, #tpu.memory_space<vmem_shared>> -> memref<10000x64xf32, #tpu.memory_space<vmem_shared>>
    tpu.enqueue_indirect_dma source(%arg9 : memref<80x64xf32, #tpu.memory_space<vmem>>) target(%dma_start3A_61 : memref<10000x64xf32, #tpu.memory_space<vmem_shared>>) offsets(%dma_start3A_58 : memref<80xi32, #tpu.memory_space<vmem>>) semaphore(%arg22 : memref<!tpu.dma_semaphore, #tpu.memory_space<semaphore_mem>>) {add = true}
    %dma_wait3A_62 = arith.constant 120 : i32
    %dma_wait3A_63 = arith.constant 0 : i32
    %dma_wait3A_64 = tpu.memref_slice %arg8[%dma_wait3A_62, %dma_wait3A_63] : memref<125x80xi32, #tpu.memory_space<vmem>> -> memref<1x80xi32, #tpu.memory_space<vmem>>
    %dma_wait3A_65 = tpu.memref_squeeze %dma_wait3A_64 : memref<1x80xi32, #tpu.memory_space<vmem>> -> memref<80xi32, #tpu.memory_space<vmem>>
    %dma_wait3A_66 = arith.constant 0 : i32
    %dma_wait3A_67 = arith.constant 0 : i32
    %dma_wait3A_68 = tpu.memref_slice %arg15[%dma_wait3A_66, %dma_wait3A_67] : memref<10000x64xf32, #tpu.memory_space<vmem_shared>> -> memref<10000x64xf32, #tpu.memory_space<vmem_shared>>
    tpu.wait_indirect_dma semaphore(%arg22 : memref<!tpu.dma_semaphore, #tpu.memory_space<semaphore_mem>>) src(%arg9 : memref<80x64xf32, #tpu.memory_space<vmem>>) dst(%dma_wait3A_68 : memref<10000x64xf32, #tpu.memory_space<vmem_shared>>)
    %dma_wait3A_69 = arith.constant 121 : i32
    %dma_wait3A_70 = arith.constant 0 : i32
    %dma_wait3A_71 = tpu.memref_slice %arg7[%dma_wait3A_69, %dma_wait3A_70] : memref<125x80xi32, #tpu.memory_space<vmem>> -> memref<1x80xi32, #tpu.memory_space<vmem>>
    %dma_wait3A_72 = tpu.memref_squeeze %dma_wait3A_71 : memref<1x80xi32, #tpu.memory_space<vmem>> -> memref<80xi32, #tpu.memory_space<vmem>>
    %dma_wait3A_73 = arith.constant 0 : i32
    %dma_wait3A_74 = arith.constant 0 : i32
    %dma_wait3A_75 = tpu.memref_slice %arg2[%dma_wait3A_73, %dma_wait3A_74] : memref<10240x64xf32, #tpu.memory_space<hbm>> -> memref<10240x64xf32, #tpu.memory_space<hbm>>
    tpu.wait_indirect_dma semaphore(%arg17 : memref<!tpu.dma_semaphore, #tpu.memory_space<semaphore_mem>>) src(%dma_wait3A_75 : memref<10240x64xf32, #tpu.memory_space<hbm>>) dst(%arg10 : memref<80x64xf32, #tpu.memory_space<vmem>>)
    %dma_start3A_76 = arith.constant 121 : i32
    %dma_start3A_77 = arith.constant 0 : i32
    %dma_start3A_78 = tpu.memref_slice %arg8[%dma_start3A_76, %dma_start3A_77] : memref<125x80xi32, #tpu.memory_space<vmem>> -> memref<1x80xi32, #tpu.memory_space<vmem>>
    %dma_start3A_79 = tpu.memref_squeeze %dma_start3A_78 : memref<1x80xi32, #tpu.memory_space<vmem>> -> memref<80xi32, #tpu.memory_space<vmem>>
    %dma_start3A_80 = arith.constant 0 : i32
    %dma_start3A_81 = arith.constant 0 : i32
    %dma_start3A_82 = tpu.memref_slice %arg15[%dma_start3A_80, %dma_start3A_81] : memref<10000x64xf32, #tpu.memory_space<vmem_shared>> -> memref<10000x64xf32, #tpu.memory_space<vmem_shared>>
    tpu.enqueue_indirect_dma source(%arg10 : memref<80x64xf32, #tpu.memory_space<vmem>>) target(%dma_start3A_82 : memref<10000x64xf32, #tpu.memory_space<vmem_shared>>) offsets(%dma_start3A_79 : memref<80xi32, #tpu.memory_space<vmem>>) semaphore(%arg23 : memref<!tpu.dma_semaphore, #tpu.memory_space<semaphore_mem>>) {add = true}
    %dma_wait3A_83 = arith.constant 121 : i32
    %dma_wait3A_84 = arith.constant 0 : i32
    %dma_wait3A_85 = tpu.memref_slice %arg8[%dma_wait3A_83, %dma_wait3A_84] : memref<125x80xi32, #tpu.memory_space<vmem>> -> memref<1x80xi32, #tpu.memory_space<vmem>>
    %dma_wait3A_86 = tpu.memref_squeeze %dma_wait3A_85 : memref<1x80xi32, #tpu.memory_space<vmem>> -> memref<80xi32, #tpu.memory_space<vmem>>
    %dma_wait3A_87 = arith.constant 0 : i32
    %dma_wait3A_88 = arith.constant 0 : i32
    %dma_wait3A_89 = tpu.memref_slice %arg15[%dma_wait3A_87, %dma_wait3A_88] : memref<10000x64xf32, #tpu.memory_space<vmem_shared>> -> memref<10000x64xf32, #tpu.memory_space<vmem_shared>>
    tpu.wait_indirect_dma semaphore(%arg23 : memref<!tpu.dma_semaphore, #tpu.memory_space<semaphore_mem>>) src(%arg10 : memref<80x64xf32, #tpu.memory_space<vmem>>) dst(%dma_wait3A_89 : memref<10000x64xf32, #tpu.memory_space<vmem_shared>>)
    %dma_wait3A_90 = arith.constant 122 : i32
    %dma_wait3A_91 = arith.constant 0 : i32
    %dma_wait3A_92 = tpu.memref_slice %arg7[%dma_wait3A_90, %dma_wait3A_91] : memref<125x80xi32, #tpu.memory_space<vmem>> -> memref<1x80xi32, #tpu.memory_space<vmem>>
    %dma_wait3A_93 = tpu.memref_squeeze %dma_wait3A_92 : memref<1x80xi32, #tpu.memory_space<vmem>> -> memref<80xi32, #tpu.memory_space<vmem>>
    %dma_wait3A_94 = arith.constant 0 : i32
    %dma_wait3A_95 = arith.constant 0 : i32
    %dma_wait3A_96 = tpu.memref_slice %arg2[%dma_wait3A_94, %dma_wait3A_95] : memref<10240x64xf32, #tpu.memory_space<hbm>> -> memref<10240x64xf32, #tpu.memory_space<hbm>>
    tpu.wait_indirect_dma semaphore(%arg18 : memref<!tpu.dma_semaphore, #tpu.memory_space<semaphore_mem>>) src(%dma_wait3A_96 : memref<10240x64xf32, #tpu.memory_space<hbm>>) dst(%arg11 : memref<80x64xf32, #tpu.memory_space<vmem>>)
    %dma_start3A_97 = arith.constant 122 : i32
    %dma_start3A_98 = arith.constant 0 : i32
    %dma_start3A_99 = tpu.memref_slice %arg8[%dma_start3A_97, %dma_start3A_98] : memref<125x80xi32, #tpu.memory_space<vmem>> -> memref<1x80xi32, #tpu.memory_space<vmem>>
    %dma_start3A_100 = tpu.memref_squeeze %dma_start3A_99 : memref<1x80xi32, #tpu.memory_space<vmem>> -> memref<80xi32, #tpu.memory_space<vmem>>
    %dma_start3A_101 = arith.constant 0 : i32
    %dma_start3A_102 = arith.constant 0 : i32
    %dma_start3A_103 = tpu.memref_slice %arg15[%dma_start3A_101, %dma_start3A_102] : memref<10000x64xf32, #tpu.memory_space<vmem_shared>> -> memref<10000x64xf32, #tpu.memory_space<vmem_shared>>
    tpu.enqueue_indirect_dma source(%arg11 : memref<80x64xf32, #tpu.memory_space<vmem>>) target(%dma_start3A_103 : memref<10000x64xf32, #tpu.memory_space<vmem_shared>>) offsets(%dma_start3A_100 : memref<80xi32, #tpu.memory_space<vmem>>) semaphore(%arg24 : memref<!tpu.dma_semaphore, #tpu.memory_space<semaphore_mem>>) {add = true}
    %dma_wait3A_104 = arith.constant 122 : i32
    %dma_wait3A_105 = arith.constant 0 : i32
    %dma_wait3A_106 = tpu.memref_slice %arg8[%dma_wait3A_104, %dma_wait3A_105] : memref<125x80xi32, #tpu.memory_space<vmem>> -> memref<1x80xi32, #tpu.memory_space<vmem>>
    %dma_wait3A_107 = tpu.memref_squeeze %dma_wait3A_106 : memref<1x80xi32, #tpu.memory_space<vmem>> -> memref<80xi32, #tpu.memory_space<vmem>>
    %dma_wait3A_108 = arith.constant 0 : i32
    %dma_wait3A_109 = arith.constant 0 : i32
    %dma_wait3A_110 = tpu.memref_slice %arg15[%dma_wait3A_108, %dma_wait3A_109] : memref<10000x64xf32, #tpu.memory_space<vmem_shared>> -> memref<10000x64xf32, #tpu.memory_space<vmem_shared>>
    tpu.wait_indirect_dma semaphore(%arg24 : memref<!tpu.dma_semaphore, #tpu.memory_space<semaphore_mem>>) src(%arg11 : memref<80x64xf32, #tpu.memory_space<vmem>>) dst(%dma_wait3A_110 : memref<10000x64xf32, #tpu.memory_space<vmem_shared>>)
    %dma_wait3A_111 = arith.constant 123 : i32
    %dma_wait3A_112 = arith.constant 0 : i32
    %dma_wait3A_113 = tpu.memref_slice %arg7[%dma_wait3A_111, %dma_wait3A_112] : memref<125x80xi32, #tpu.memory_space<vmem>> -> memref<1x80xi32, #tpu.memory_space<vmem>>
    %dma_wait3A_114 = tpu.memref_squeeze %dma_wait3A_113 : memref<1x80xi32, #tpu.memory_space<vmem>> -> memref<80xi32, #tpu.memory_space<vmem>>
    %dma_wait3A_115 = arith.constant 0 : i32
    %dma_wait3A_116 = arith.constant 0 : i32
    %dma_wait3A_117 = tpu.memref_slice %arg2[%dma_wait3A_115, %dma_wait3A_116] : memref<10240x64xf32, #tpu.memory_space<hbm>> -> memref<10240x64xf32, #tpu.memory_space<hbm>>
    tpu.wait_indirect_dma semaphore(%arg19 : memref<!tpu.dma_semaphore, #tpu.memory_space<semaphore_mem>>) src(%dma_wait3A_117 : memref<10240x64xf32, #tpu.memory_space<hbm>>) dst(%arg12 : memref<80x64xf32, #tpu.memory_space<vmem>>)
    %dma_start3A_118 = arith.constant 123 : i32
    %dma_start3A_119 = arith.constant 0 : i32
    %dma_start3A_120 = tpu.memref_slice %arg8[%dma_start3A_118, %dma_start3A_119] : memref<125x80xi32, #tpu.memory_space<vmem>> -> memref<1x80xi32, #tpu.memory_space<vmem>>
    %dma_start3A_121 = tpu.memref_squeeze %dma_start3A_120 : memref<1x80xi32, #tpu.memory_space<vmem>> -> memref<80xi32, #tpu.memory_space<vmem>>
    %dma_start3A_122 = arith.constant 0 : i32
    %dma_start3A_123 = arith.constant 0 : i32
    %dma_start3A_124 = tpu.memref_slice %arg15[%dma_start3A_122, %dma_start3A_123] : memref<10000x64xf32, #tpu.memory_space<vmem_shared>> -> memref<10000x64xf32, #tpu.memory_space<vmem_shared>>
    tpu.enqueue_indirect_dma source(%arg12 : memref<80x64xf32, #tpu.memory_space<vmem>>) target(%dma_start3A_124 : memref<10000x64xf32, #tpu.memory_space<vmem_shared>>) offsets(%dma_start3A_121 : memref<80xi32, #tpu.memory_space<vmem>>) semaphore(%arg25 : memref<!tpu.dma_semaphore, #tpu.memory_space<semaphore_mem>>) {add = true}
    %dma_wait3A_125 = arith.constant 123 : i32
    %dma_wait3A_126 = arith.constant 0 : i32
    %dma_wait3A_127 = tpu.memref_slice %arg8[%dma_wait3A_125, %dma_wait3A_126] : memref<125x80xi32, #tpu.memory_space<vmem>> -> memref<1x80xi32, #tpu.memory_space<vmem>>
    %dma_wait3A_128 = tpu.memref_squeeze %dma_wait3A_127 : memref<1x80xi32, #tpu.memory_space<vmem>> -> memref<80xi32, #tpu.memory_space<vmem>>
    %dma_wait3A_129 = arith.constant 0 : i32
    %dma_wait3A_130 = arith.constant 0 : i32
    %dma_wait3A_131 = tpu.memref_slice %arg15[%dma_wait3A_129, %dma_wait3A_130] : memref<10000x64xf32, #tpu.memory_space<vmem_shared>> -> memref<10000x64xf32, #tpu.memory_space<vmem_shared>>
    tpu.wait_indirect_dma semaphore(%arg25 : memref<!tpu.dma_semaphore, #tpu.memory_space<semaphore_mem>>) src(%arg12 : memref<80x64xf32, #tpu.memory_space<vmem>>) dst(%dma_wait3A_131 : memref<10000x64xf32, #tpu.memory_space<vmem_shared>>)
    %dma_wait3A_132 = arith.constant 124 : i32
    %dma_wait3A_133 = arith.constant 0 : i32
    %dma_wait3A_134 = tpu.memref_slice %arg7[%dma_wait3A_132, %dma_wait3A_133] : memref<125x80xi32, #tpu.memory_space<vmem>> -> memref<1x80xi32, #tpu.memory_space<vmem>>
    %dma_wait3A_135 = tpu.memref_squeeze %dma_wait3A_134 : memref<1x80xi32, #tpu.memory_space<vmem>> -> memref<80xi32, #tpu.memory_space<vmem>>
    %dma_wait3A_136 = arith.constant 0 : i32
    %dma_wait3A_137 = arith.constant 0 : i32
    %dma_wait3A_138 = tpu.memref_slice %arg2[%dma_wait3A_136, %dma_wait3A_137] : memref<10240x64xf32, #tpu.memory_space<hbm>> -> memref<10240x64xf32, #tpu.memory_space<hbm>>
    tpu.wait_indirect_dma semaphore(%arg20 : memref<!tpu.dma_semaphore, #tpu.memory_space<semaphore_mem>>) src(%dma_wait3A_138 : memref<10240x64xf32, #tpu.memory_space<hbm>>) dst(%arg13 : memref<80x64xf32, #tpu.memory_space<vmem>>)
    %dma_start3A_139 = arith.constant 124 : i32
    %dma_start3A_140 = arith.constant 0 : i32
    %dma_start3A_141 = tpu.memref_slice %arg8[%dma_start3A_139, %dma_start3A_140] : memref<125x80xi32, #tpu.memory_space<vmem>> -> memref<1x80xi32, #tpu.memory_space<vmem>>
    %dma_start3A_142 = tpu.memref_squeeze %dma_start3A_141 : memref<1x80xi32, #tpu.memory_space<vmem>> -> memref<80xi32, #tpu.memory_space<vmem>>
    %dma_start3A_143 = arith.constant 0 : i32
    %dma_start3A_144 = arith.constant 0 : i32
    %dma_start3A_145 = tpu.memref_slice %arg15[%dma_start3A_143, %dma_start3A_144] : memref<10000x64xf32, #tpu.memory_space<vmem_shared>> -> memref<10000x64xf32, #tpu.memory_space<vmem_shared>>
    tpu.enqueue_indirect_dma source(%arg13 : memref<80x64xf32, #tpu.memory_space<vmem>>) target(%dma_start3A_145 : memref<10000x64xf32, #tpu.memory_space<vmem_shared>>) offsets(%dma_start3A_142 : memref<80xi32, #tpu.memory_space<vmem>>) semaphore(%arg26 : memref<!tpu.dma_semaphore, #tpu.memory_space<semaphore_mem>>) {add = true}
    %dma_wait3A_146 = arith.constant 124 : i32
    %dma_wait3A_147 = arith.constant 0 : i32
    %dma_wait3A_148 = tpu.memref_slice %arg8[%dma_wait3A_146, %dma_wait3A_147] : memref<125x80xi32, #tpu.memory_space<vmem>> -> memref<1x80xi32, #tpu.memory_space<vmem>>
    %dma_wait3A_149 = tpu.memref_squeeze %dma_wait3A_148 : memref<1x80xi32, #tpu.memory_space<vmem>> -> memref<80xi32, #tpu.memory_space<vmem>>
    %dma_wait3A_150 = arith.constant 0 : i32
    %dma_wait3A_151 = arith.constant 0 : i32
    %dma_wait3A_152 = tpu.memref_slice %arg15[%dma_wait3A_150, %dma_wait3A_151] : memref<10000x64xf32, #tpu.memory_space<vmem_shared>> -> memref<10000x64xf32, #tpu.memory_space<vmem_shared>>
    tpu.wait_indirect_dma semaphore(%arg26 : memref<!tpu.dma_semaphore, #tpu.memory_space<semaphore_mem>>) src(%arg13 : memref<80x64xf32, #tpu.memory_space<vmem>>) dst(%dma_wait3A_152 : memref<10000x64xf32, #tpu.memory_space<vmem_shared>>)
    %barrier3A_153 = arith.constant 0 : index
    tpu.barrier barrier_id(%barrier3A_153)
    "tpu.region"() ({
      %run_scoped3A = tpu.sem_alloc : memref<!tpu.dma_semaphore, #tpu.memory_space<semaphore_mem>>
      %dma_start3A_154 = arith.constant 0 : i32
      %dma_start3A_155 = tpu.memref_slice %arg6[%arg0, %mul3A_2, %dma_start3A_154] : memref<2x10000x64xf32, #tpu.memory_space<hbm>> -> memref<1x625x64xf32, #tpu.memory_space<hbm>>
      %dma_start3A_156 = tpu.memref_squeeze %dma_start3A_155 : memref<1x625x64xf32, #tpu.memory_space<hbm>> -> memref<625x64xf32, #tpu.memory_space<hbm>>
      %dma_start3A_157 = arith.constant 0 : i32
      %dma_start3A_158 = tpu.memref_slice %arg15[%mul3A_2, %dma_start3A_157] : memref<10000x64xf32, #tpu.memory_space<vmem_shared>> -> memref<625x64xf32, #tpu.memory_space<vmem_shared>>
      tpu.enqueue_dma source(%dma_start3A_158 : memref<625x64xf32, #tpu.memory_space<vmem_shared>>) target(%dma_start3A_156 : memref<625x64xf32, #tpu.memory_space<hbm>>) target_semaphore(%run_scoped3A : memref<!tpu.dma_semaphore, #tpu.memory_space<semaphore_mem>>)
      %dma_wait3A_159 = arith.constant 0 : i32
      %dma_wait3A_160 = tpu.memref_slice %arg6[%arg0, %mul3A_2, %dma_wait3A_159] : memref<2x10000x64xf32, #tpu.memory_space<hbm>> -> memref<1x625x64xf32, #tpu.memory_space<hbm>>
      %dma_wait3A_161 = tpu.memref_squeeze %dma_wait3A_160 : memref<1x625x64xf32, #tpu.memory_space<hbm>> -> memref<625x64xf32, #tpu.memory_space<hbm>>
      %dma_wait3A_162 = arith.constant 0 : i32
      %dma_wait3A_163 = tpu.memref_slice %arg15[%mul3A_2, %dma_wait3A_162] : memref<10000x64xf32, #tpu.memory_space<vmem_shared>> -> memref<625x64xf32, #tpu.memory_space<vmem_shared>>
      tpu.wait_dma2 semaphore(%run_scoped3A : memref<!tpu.dma_semaphore, #tpu.memory_space<semaphore_mem>>) src(%dma_wait3A_163 : memref<625x64xf32, #tpu.memory_space<vmem_shared>>) dst(%dma_wait3A_161 : memref<625x64xf32, #tpu.memory_space<hbm>>)
      tpu.yield
    }) : () -> ()
    return
  }
}

module attributes {stable_mosaic.version = 14 : i64} {
  func.func @_prep_body(%arg0: i32, %arg1: memref<1024x128xf32, #tpu.memory_space<vmem>>, %arg2: memref<32x10240xf32, #tpu.memory_space<vmem>>, %arg3: memref<32x10240xf32, #tpu.memory_space<vmem>>, %arg4: memref<1024x128xf32, #tpu.memory_space<vmem>>, %arg5: memref<1024x1xf32, #tpu.memory_space<vmem>>, %arg6: memref<1024x1xf32, #tpu.memory_space<vmem>>) attributes {dimension_semantics = [#tpu.dimension_semantics<arbitrary>], iteration_bounds = array<i64: 10>, scalar_prefetch = 0 : i64, scratch_operands = 0 : i64, tpu.core_type = #tpu.core_type<tc>, window_params = [{transform_indices = @transform_0, window_bounds = array<i64: 1024, 128>}, {pipeline_mode = #tpu.pipeline_mode<synchronous>, transform_indices = @transform_1, window_bounds = array<i64: 32, 10240>}, {pipeline_mode = #tpu.pipeline_mode<synchronous>, transform_indices = @transform_2, window_bounds = array<i64: 32, 10240>}, {transform_indices = @transform_3, window_bounds = array<i64: 1024, 128>}, {transform_indices = @transform_4, window_bounds = array<i64: 1024, 1>}, {transform_indices = @transform_5, window_bounds = array<i64: 1024, 1>}]} {
    %mul3A = arith.constant 1024 : i32
    %mul3A_0 = arith.muli %arg0, %mul3A : i32
    %get3A = arith.constant 0 : index
    %get3A_1 = arith.index_cast %mul3A_0 : i32 to index
    %get3A_2 = vector.load %arg2[%get3A, %get3A_1] : memref<32x10240xf32, #tpu.memory_space<vmem>>, vector<32x1024xf32>
    %reduce_sum3A = arith.constant dense<0.000000e+00> : vector<1024xf32>
    %reduce_sum3A_3 = vector.multi_reduction <add>, %get3A_2, %reduce_sum3A [0] : vector<32x1024xf32> to vector<1024xf32>
    %mul3A_4 = arith.constant 1024 : i32
    %mul3A_5 = arith.muli %arg0, %mul3A_4 : i32
    %get3A_6 = arith.constant 0 : index
    %get3A_7 = arith.index_cast %mul3A_5 : i32 to index
    %get3A_8 = vector.load %arg3[%get3A_6, %get3A_7] : memref<32x10240xf32, #tpu.memory_space<vmem>>, vector<32x1024xf32>
    %reduce_sum3A_9 = arith.constant dense<0.000000e+00> : vector<1024xf32>
    %reduce_sum3A_10 = vector.multi_reduction <add>, %get3A_8, %reduce_sum3A_9 [0] : vector<32x1024xf32> to vector<1024xf32>
    %max3A = arith.constant 1.000000e+00 : f32
    %max3A_11 = vector.broadcast %max3A : f32 to vector<1024xf32>
    %max3A_12 = arith.maximumf %reduce_sum3A_3, %max3A_11 : vector<1024xf32>
    %rsqrt3A = math.rsqrt %max3A_12 : vector<1024xf32>
    %max3A_13 = arith.constant 1.000000e+00 : f32
    %max3A_14 = vector.broadcast %max3A_13 : f32 to vector<1024xf32>
    %max3A_15 = arith.maximumf %reduce_sum3A_10, %max3A_14 : vector<1024xf32>
    %rsqrt3A_16 = math.rsqrt %max3A_15 : vector<1024xf32>
    %get3A_17 = arith.constant 0 : index
    %get3A_18 = arith.constant 0 : index
    %get3A_19 = vector.load %arg1[%get3A_17, %get3A_18] : memref<1024x128xf32, #tpu.memory_space<vmem>>, vector<1024x128xf32>
    %broadcast_in_dim3A = vector.shape_cast %rsqrt3A : vector<1024xf32> to vector<1024x1xf32>
    %mul3A_20 = vector.broadcast %broadcast_in_dim3A : vector<1024x1xf32> to vector<1024x128xf32>
    %mul3A_21 = arith.mulf %get3A_19, %mul3A_20 : vector<1024x128xf32>
    %swap3A = arith.constant 0 : index
    %swap3A_22 = arith.constant 0 : index
    %swap3A_23 = vector.load %arg4[%swap3A, %swap3A_22] : memref<1024x128xf32, #tpu.memory_space<vmem>>, vector<1024x128xf32>
    tpu.vector_store %arg4[%swap3A, %swap3A_22], %mul3A_21 {strides = array<i32>} : memref<1024x128xf32, #tpu.memory_space<vmem>>, vector<1024x128xf32>,
    %broadcast_in_dim3A_24 = vector.shape_cast %rsqrt3A : vector<1024xf32> to vector<1024x1xf32>
    %swap3A_25 = arith.constant 0 : index
    %swap3A_26 = arith.constant 0 : index
    %swap3A_27 = vector.load %arg5[%swap3A_25, %swap3A_26] : memref<1024x1xf32, #tpu.memory_space<vmem>>, vector<1024x1xf32>
    tpu.vector_store %arg5[%swap3A_25, %swap3A_26], %broadcast_in_dim3A_24 {strides = array<i32>} : memref<1024x1xf32, #tpu.memory_space<vmem>>, vector<1024x1xf32>,
    %broadcast_in_dim3A_28 = vector.shape_cast %rsqrt3A_16 : vector<1024xf32> to vector<1024x1xf32>
    %swap3A_29 = arith.constant 0 : index
    %swap3A_30 = arith.constant 0 : index
    %swap3A_31 = vector.load %arg6[%swap3A_29, %swap3A_30] : memref<1024x1xf32, #tpu.memory_space<vmem>>, vector<1024x1xf32>
    tpu.vector_store %arg6[%swap3A_29, %swap3A_30], %broadcast_in_dim3A_28 {strides = array<i32>} : memref<1024x1xf32, #tpu.memory_space<vmem>>, vector<1024x1xf32>,
    return
  }
  func.func @transform_0(%arg0: i32) -> (i32, i32) {
    %c0_i32 = arith.constant 0 : i32
    %c0_i32_0 = arith.constant 0 : i32
    return %arg0, %c0_i32 : i32, i32
  }
  func.func @transform_1(%arg0: i32) -> (i32, i32) {
    %c0_i32 = arith.constant 0 : i32
    %c0_i32_0 = arith.constant 0 : i32
    %c0_i32_1 = arith.constant 0 : i32
    return %c0_i32, %c0_i32_0 : i32, i32
  }
  func.func @transform_2(%arg0: i32) -> (i32, i32) {
    %c0_i32 = arith.constant 0 : i32
    %c0_i32_0 = arith.constant 0 : i32
    %c0_i32_1 = arith.constant 0 : i32
    return %c0_i32, %c0_i32_0 : i32, i32
  }
  func.func @transform_3(%arg0: i32) -> (i32, i32) {
    %c0_i32 = arith.constant 0 : i32
    %c0_i32_0 = arith.constant 0 : i32
    return %arg0, %c0_i32 : i32, i32
  }
  func.func @transform_4(%arg0: i32) -> (i32, i32) {
    %c0_i32 = arith.constant 0 : i32
    %c0_i32_0 = arith.constant 0 : i32
    return %arg0, %c0_i32 : i32, i32
  }
  func.func @transform_5(%arg0: i32) -> (i32, i32) {
    %c0_i32 = arith.constant 0 : i32
    %c0_i32_0 = arith.constant 0 : i32
    return %arg0, %c0_i32 : i32, i32
  }
}

module attributes {stable_mosaic.version = 14 : i64} {
  func.func @_mid_body(%arg0: i32, %arg1: memref<2x1024x128xf32, #tpu.memory_space<vmem>>, %arg2: memref<1024x1xf32, #tpu.memory_space<vmem>>, %arg3: memref<1024x1xf32, #tpu.memory_space<vmem>>, %arg4: memref<128x128xf32, #tpu.memory_space<vmem>>, %arg5: memref<1x128xf32, #tpu.memory_space<vmem>>, %arg6: memref<128x64xf32, #tpu.memory_space<vmem>>, %arg7: memref<1024x64xf32, #tpu.memory_space<vmem>>) attributes {dimension_semantics = [#tpu.dimension_semantics<arbitrary>], iteration_bounds = array<i64: 10>, scalar_prefetch = 0 : i64, scratch_operands = 0 : i64, tpu.core_type = #tpu.core_type<tc>, window_params = [{transform_indices = @transform_0, window_bounds = array<i64: 2, 1024, 128>}, {transform_indices = @transform_1, window_bounds = array<i64: 1024, 1>}, {transform_indices = @transform_2, window_bounds = array<i64: 1024, 1>}, {pipeline_mode = #tpu.pipeline_mode<synchronous>, transform_indices = @transform_3, window_bounds = array<i64: 128, 128>}, {pipeline_mode = #tpu.pipeline_mode<synchronous>, transform_indices = @transform_4, window_bounds = array<i64: 1, 128>}, {pipeline_mode = #tpu.pipeline_mode<synchronous>, transform_indices = @transform_5, window_bounds = array<i64: 128, 64>}, {transform_indices = @transform_6, window_bounds = array<i64: 1024, 64>}]} {
    %get3A = arith.constant 0 : index
    %get3A_0 = arith.constant 0 : index
    %get3A_1 = arith.constant 0 : index
    %get3A_2 = vector.load %arg1[%get3A, %get3A_0, %get3A_1] : memref<2x1024x128xf32, #tpu.memory_space<vmem>>, vector<1x1024x128xf32>
    %get3A_3 = vector.shape_cast %get3A_2 : vector<1x1024x128xf32> to vector<1024x128xf32>
    %get3A_4 = arith.constant 1 : index
    %get3A_5 = arith.constant 0 : index
    %get3A_6 = arith.constant 0 : index
    %get3A_7 = vector.load %arg1[%get3A_4, %get3A_5, %get3A_6] : memref<2x1024x128xf32, #tpu.memory_space<vmem>>, vector<1x1024x128xf32>
    %get3A_8 = vector.shape_cast %get3A_7 : vector<1x1024x128xf32> to vector<1024x128xf32>
    %add3A = arith.addf %get3A_3, %get3A_8 : vector<1024x128xf32>
    %get3A_9 = arith.constant 0 : index
    %get3A_10 = arith.constant 0 : index
    %get3A_11 = vector.load %arg2[%get3A_9, %get3A_10] : memref<1024x1xf32, #tpu.memory_space<vmem>>, vector<1024x1xf32>
    %mul3A = vector.broadcast %get3A_11 : vector<1024x1xf32> to vector<1024x128xf32>
    %mul3A_12 = arith.mulf %add3A, %mul3A : vector<1024x128xf32>
    %get3A_13 = arith.constant 0 : index
    %get3A_14 = arith.constant 0 : index
    %get3A_15 = vector.load %arg4[%get3A_13, %get3A_14] : memref<128x128xf32, #tpu.memory_space<vmem>>, vector<128x128xf32>
    %dot_general3A = arith.constant dense<0.000000e+00> : vector<1024x128xf32>
    %dot_general3A_16 = tpu.matmul %mul3A_12, %get3A_15, %dot_general3A {dimension_numbers = #tpu.dot_dimension_numbers<[1], [0], [0], [1], [0, 0, 1, 1], [], []>, transpose_lhs_hint = false} : vector<1024x128xf32>, vector<128x128xf32>, vector<1024x128xf32> -> vector<1024x128xf32>
    %get3A_17 = arith.constant 0 : index
    %get3A_18 = arith.constant 0 : index
    %get3A_19 = vector.load %arg5[%get3A_17, %get3A_18] : memref<1x128xf32, #tpu.memory_space<vmem>>, vector<1x128xf32>
    %add3A_20 = vector.broadcast %get3A_19 : vector<1x128xf32> to vector<1024x128xf32>
    %add3A_21 = arith.addf %dot_general3A_16, %add3A_20 : vector<1024x128xf32>
    %max3A = arith.constant 0.000000e+00 : f32
    %max3A_22 = vector.broadcast %max3A : f32 to vector<1024x128xf32>
    %max3A_23 = arith.maximumf %add3A_21, %max3A_22 : vector<1024x128xf32>
    %get3A_24 = arith.constant 0 : index
    %get3A_25 = arith.constant 0 : index
    %get3A_26 = vector.load %arg3[%get3A_24, %get3A_25] : memref<1024x1xf32, #tpu.memory_space<vmem>>, vector<1024x1xf32>
    %mul3A_27 = vector.broadcast %get3A_26 : vector<1024x1xf32> to vector<1024x128xf32>
    %mul3A_28 = arith.mulf %max3A_23, %mul3A_27 : vector<1024x128xf32>
    %get3A_29 = arith.constant 0 : index
    %get3A_30 = arith.constant 0 : index
    %get3A_31 = vector.load %arg6[%get3A_29, %get3A_30] : memref<128x64xf32, #tpu.memory_space<vmem>>, vector<128x64xf32>
    %dot_general3A_32 = arith.constant dense<0.000000e+00> : vector<1024x64xf32>
    %dot_general3A_33 = tpu.matmul %mul3A_28, %get3A_31, %dot_general3A_32 {dimension_numbers = #tpu.dot_dimension_numbers<[1], [0], [0], [1], [0, 0, 1, 1], [], []>, transpose_lhs_hint = false} : vector<1024x128xf32>, vector<128x64xf32>, vector<1024x64xf32> -> vector<1024x64xf32>
    %swap3A = arith.constant 0 : index
    %swap3A_34 = arith.constant 0 : index
    %swap3A_35 = vector.load %arg7[%swap3A, %swap3A_34] : memref<1024x64xf32, #tpu.memory_space<vmem>>, vector<1024x64xf32>
    tpu.vector_store %arg7[%swap3A, %swap3A_34], %dot_general3A_33 {strides = array<i32>} : memref<1024x64xf32, #tpu.memory_space<vmem>>, vector<1024x64xf32>,
    return
  }
  func.func @transform_0(%arg0: i32) -> (i32, i32, i32) {
    %c0_i32 = arith.constant 0 : i32
    %c0_i32_0 = arith.constant 0 : i32
    %c0_i32_1 = arith.constant 0 : i32
    return %c0_i32, %arg0, %c0_i32_0 : i32, i32, i32
  }
  func.func @transform_1(%arg0: i32) -> (i32, i32) {
    %c0_i32 = arith.constant 0 : i32
    %c0_i32_0 = arith.constant 0 : i32
    return %arg0, %c0_i32 : i32, i32
  }
  func.func @transform_2(%arg0: i32) -> (i32, i32) {
    %c0_i32 = arith.constant 0 : i32
    %c0_i32_0 = arith.constant 0 : i32
    return %arg0, %c0_i32 : i32, i32
  }
  func.func @transform_3(%arg0: i32) -> (i32, i32) {
    %c0_i32 = arith.constant 0 : i32
    %c0_i32_0 = arith.constant 0 : i32
    %c0_i32_1 = arith.constant 0 : i32
    return %c0_i32, %c0_i32_0 : i32, i32
  }
  func.func @transform_4(%arg0: i32) -> (i32, i32) {
    %c0_i32 = arith.constant 0 : i32
    %c0_i32_0 = arith.constant 0 : i32
    %c0_i32_1 = arith.constant 0 : i32
    return %c0_i32, %c0_i32_0 : i32, i32
  }
  func.func @transform_5(%arg0: i32) -> (i32, i32) {
    %c0_i32 = arith.constant 0 : i32
    %c0_i32_0 = arith.constant 0 : i32
    %c0_i32_1 = arith.constant 0 : i32
    return %c0_i32, %c0_i32_0 : i32, i32
  }
  func.func @transform_6(%arg0: i32) -> (i32, i32) {
    %c0_i32 = arith.constant 0 : i32
    %c0_i32_0 = arith.constant 0 : i32
    return %arg0, %c0_i32 : i32, i32
  }
}

module attributes {stable_mosaic.version = 14 : i64} {
  func.func @_final_body(%arg0: i32, %arg1: memref<2x1024x64xf32, #tpu.memory_space<vmem>>, %arg2: memref<1024x1xf32, #tpu.memory_space<vmem>>, %arg3: memref<1x64xf32, #tpu.memory_space<vmem>>, %arg4: memref<1024x64xf32, #tpu.memory_space<vmem>>) attributes {dimension_semantics = [#tpu.dimension_semantics<arbitrary>], iteration_bounds = array<i64: 10>, scalar_prefetch = 0 : i64, scratch_operands = 0 : i64, tpu.core_type = #tpu.core_type<tc>, window_params = [{transform_indices = @transform_0, window_bounds = array<i64: 2, 1024, 64>}, {transform_indices = @transform_1, window_bounds = array<i64: 1024, 1>}, {pipeline_mode = #tpu.pipeline_mode<synchronous>, transform_indices = @transform_2, window_bounds = array<i64: 1, 64>}, {transform_indices = @transform_3, window_bounds = array<i64: 1024, 64>}]} {
    %get3A = arith.constant 0 : index
    %get3A_0 = arith.constant 0 : index
    %get3A_1 = arith.constant 0 : index
    %get3A_2 = vector.load %arg1[%get3A, %get3A_0, %get3A_1] : memref<2x1024x64xf32, #tpu.memory_space<vmem>>, vector<1x1024x64xf32>
    %get3A_3 = vector.shape_cast %get3A_2 : vector<1x1024x64xf32> to vector<1024x64xf32>
    %get3A_4 = arith.constant 1 : index
    %get3A_5 = arith.constant 0 : index
    %get3A_6 = arith.constant 0 : index
    %get3A_7 = vector.load %arg1[%get3A_4, %get3A_5, %get3A_6] : memref<2x1024x64xf32, #tpu.memory_space<vmem>>, vector<1x1024x64xf32>
    %get3A_8 = vector.shape_cast %get3A_7 : vector<1x1024x64xf32> to vector<1024x64xf32>
    %add3A = arith.addf %get3A_3, %get3A_8 : vector<1024x64xf32>
    %get3A_9 = arith.constant 0 : index
    %get3A_10 = arith.constant 0 : index
    %get3A_11 = vector.load %arg2[%get3A_9, %get3A_10] : memref<1024x1xf32, #tpu.memory_space<vmem>>, vector<1024x1xf32>
    %mul3A = vector.broadcast %get3A_11 : vector<1024x1xf32> to vector<1024x64xf32>
    %mul3A_12 = arith.mulf %add3A, %mul3A : vector<1024x64xf32>
    %get3A_13 = arith.constant 0 : index
    %get3A_14 = arith.constant 0 : index
    %get3A_15 = vector.load %arg3[%get3A_13, %get3A_14] : memref<1x64xf32, #tpu.memory_space<vmem>>, vector<1x64xf32>
    %add3A_16 = vector.broadcast %get3A_15 : vector<1x64xf32> to vector<1024x64xf32>
    %add3A_17 = arith.addf %mul3A_12, %add3A_16 : vector<1024x64xf32>
    %reduce_max3A = arith.constant dense<0xFF800000> : vector<1024xf32>
    %reduce_max3A_18 = vector.multi_reduction <maximumf>, %add3A_17, %reduce_max3A [1] : vector<1024x64xf32> to vector<1024xf32>
    %broadcast_in_dim3A = vector.shape_cast %reduce_max3A_18 : vector<1024xf32> to vector<1024x1xf32>
    %sub3A = vector.broadcast %broadcast_in_dim3A : vector<1024x1xf32> to vector<1024x64xf32>
    %sub3A_19 = arith.subf %add3A_17, %sub3A : vector<1024x64xf32>
    %exp3A = math.exp %sub3A_19 : vector<1024x64xf32>
    %sub3A_20 = vector.broadcast %broadcast_in_dim3A : vector<1024x1xf32> to vector<1024x64xf32>
    %sub3A_21 = arith.subf %add3A_17, %sub3A_20 : vector<1024x64xf32>
    %reduce_sum3A = arith.constant dense<0.000000e+00> : vector<1024xf32>
    %reduce_sum3A_22 = vector.multi_reduction <add>, %exp3A, %reduce_sum3A [1] : vector<1024x64xf32> to vector<1024xf32>
    %broadcast_in_dim3A_23 = vector.shape_cast %reduce_sum3A_22 : vector<1024xf32> to vector<1024x1xf32>
    %log3A = math.log %broadcast_in_dim3A_23 : vector<1024x1xf32>
    %sub3A_24 = vector.broadcast %log3A : vector<1024x1xf32> to vector<1024x64xf32>
    %sub3A_25 = arith.subf %sub3A_21, %sub3A_24 : vector<1024x64xf32>
    %swap3A = arith.constant 0 : index
    %swap3A_26 = arith.constant 0 : index
    %swap3A_27 = vector.load %arg4[%swap3A, %swap3A_26] : memref<1024x64xf32, #tpu.memory_space<vmem>>, vector<1024x64xf32>
    tpu.vector_store %arg4[%swap3A, %swap3A_26], %sub3A_25 {strides = array<i32>} : memref<1024x64xf32, #tpu.memory_space<vmem>>, vector<1024x64xf32>,
    return
  }
  func.func @transform_0(%arg0: i32) -> (i32, i32, i32) {
    %c0_i32 = arith.constant 0 : i32
    %c0_i32_0 = arith.constant 0 : i32
    %c0_i32_1 = arith.constant 0 : i32
    return %c0_i32, %arg0, %c0_i32_0 : i32, i32, i32
  }
  func.func @transform_1(%arg0: i32) -> (i32, i32) {
    %c0_i32 = arith.constant 0 : i32
    %c0_i32_0 = arith.constant 0 : i32
    return %arg0, %c0_i32 : i32, i32
  }
  func.func @transform_2(%arg0: i32) -> (i32, i32) {
    %c0_i32 = arith.constant 0 : i32
    %c0_i32_0 = arith.constant 0 : i32
    %c0_i32_1 = arith.constant 0 : i32
    return %c0_i32, %c0_i32_0 : i32, i32
  }
  func.func @transform_3(%arg0: i32) -> (i32, i32) {
    %c0_i32 = arith.constant 0 : i32
    %c0_i32_0 = arith.constant 0 : i32
    return %arg0, %c0_i32 : i32, i32
  }
}

</mosaic_0001>

<sc_bundles>
// kernel: kernel.11.cloned.1.call-start
scs
__scs_entry_jumppad:
0x0: {  	(pc) =	sbr.rel $0x88, $3  }
0x1: {  	(tag) =	ssettag $0x0;
	lr =	simm.s32 $0x1  }
0x2: {  	[smem:$0x3F9B] =	sst lr;
	_ =	strace $0xD0000000  }
0x3: {  	_ = 	snop  }
0x4: {  	_ = 	snop  }
0x5: {  	_ = 	snop  }
0x6: {  	_ = 	snop  }
0x7: {  	_ = 	snop  }
__scs_overlays_trampoline_lowered:
0x8: {  	[smem:$0x3FAA] =	sst s0  }
0x9: {  	[smem:$0x3FAB] =	sst s1  }
0xa: {  	[smem:$0x3FAC] =	sst s2  }
0xb: {  	[smem:$0x3FAD] =	sst s3  }
0xc: {  	[smem:$0x3FAE] =	sst s4  }
0xd: {  	[smem:$0x3FAF] =	sst s5  }
0xe: {  	[smem:$0x3FB0] =	sst s6  }
0xf: {  	[smem:$0x3FB1] =	sst s7  }
0x10: {  	[smem:$0x3FB2] =	sst s8  }
0x11: {  	[smem:$0x3FB3] =	sst s9;
	s0 =	simm.s32 @!p0 $0x0  }
0x12: {  	s1 =	sld [smem:$0x3F99];
	s0 =	simm.s32 @p0 $0x1  }
0x13: {  	[smem:$0x3FB4] =	sst s0;
	s0 =	simm.s32 @!p1 $0x0  }
0x14: {  	s2 =	sld [smem:$0x3F98];
	s0 =	simm.s32 @p1 $0x1  }
0x15: {  	[smem:$0x3FB5] =	sst s0;
	s0 =	simm.s32 @!p2 $0x0  }
0x16: {  	s3 =	sld [smem:$0x3FDB];
	s0 =	simm.s32 @p2 $0x1  }
0x17: {  	s4 =	simm.s32 $0x1BF5;
	[smem:$0x3FB7] =	sst s0  }
0x18: {  	s0 =	sld [smem:$0x3F9A];
	_ =	swait.ge [sflag:s4], $0x0  }
0x19: {  	s7 =	sld [smem:$0x3F9B]  }
0x1a: {  	s8 =	sadd.s32 $0xFFFFE003, lr  }
0x1b: {  	s9 =	sadd.s32 $0xFFFFFEF7, lr;
	s5 =	simm.s32 $0xFFFFFFFF;
	p2 =	slt.u32 s8, $0xFFFFF086  }
0x1c: {  	p1 =	slt.u32 s9, $0xF7A;
	s5 =	simm.s32 @!p2 $0x0  }
0x1d: {  	s5 =	simm.s32 @p1 $0x1;
	p0 =	seq.s32 s7, s2  }
0x1e: {  	s7 =	smul.u32 @!p0 $0xF7A, s2;
	p2 =	seq.s32 @!p0 s5, $0x0  }
0x1f: {  	s9 =	smul.u32 $0xF7A, s1;
	s8 =	simm.s32 @!p0 $0x1BF5;
	p2 =	por !p2, p0  }
0x20: {  	[sflag:s8] =	ssyncset.s32 @!p0 $0xFFFFF086;
	s6 =	sadd.s32 @!p0 s3, s7;
	s7 =	simm.s32 @!p0 $0x108  }
0x21: {  	s3 =	sadd.s32 s3, s9;
	s6 =	sadd.s32 @!p0 $0x88, s6;
	s7 =	simm.s32 @p2 $0x1082  }
0x22: {  	[simem:s7], [sflag:s8] =	dma.local @!p0 [hbm:s6], $0xF7A  }
0x23: {  	s9 =	sor.u32 $0xD0000000, s2;
	s6 =	simm.s32 $0x108;
	_ =	swait.ge @!p0 [sflag:s8], $0x0  }
0x24: {  	s3 =	sadd.s32 $0x88, s3;
	s6 =	simm.s32 @!p1 $0x1082;
	[sflag:s4] =	ssyncset.s32 $0xFFFFF086  }
0x25: {  	[simem:s6], [sflag:s4] =	dma.local [hbm:s3], $0xF7A  }
0x26: {  	[smem:$0x3F9B] =	sst s1;
	(tag) =	ssettag s2;
	_ =	strace s9  }
0x27: {  	s1 =	sld [smem:$0x3FAB]  }
0x28: {  	s2 =	sld [smem:$0x3FAC]  }
0x29: {  	s4 =	sld [smem:$0x3FAE]  }
0x2a: {  	p0 =	seq.s32 s5, $0x0;
	s5 =	sld [smem:$0x3FAF]  }
0x2b: {  	s6 =	sld [smem:$0x3FB0]  }
0x2c: {  	s7 =	sld [smem:$0x3FB1]  }
0x2d: {  	s3 =	simm.s32 $0x108;
	s8 =	sld [smem:$0x3FB2]  }
0x2e: {  	s3 =	simm.s32 @!p0 $0x1082;
	s9 =	sld [smem:$0x3FB3]  }
0x2f: {  	lr =	sadd.s32 s0, s3;
	s0 =	sld [smem:$0x3FAA]  }
0x30: {  	s3 =	sld [smem:$0x3FAD]  }
0x31: {  	[smem:$0x3FB6] =	sst s10  }
0x32: {  	s10 =	sld [smem:$0x3FB4];
	_ =	sdelay $0x3  }
0x33: {  	p0 =	seq.s32 s10, $0x1;
	s10 =	sld [smem:$0x3FB6];
	_ =	sdelay $0x3  }
0x34: {  	[smem:$0x3FB6] =	sst s10  }
0x35: {  	s10 =	sld [smem:$0x3FB5];
	_ =	sdelay $0x3  }
0x36: {  	p1 =	seq.s32 s10, $0x1;
	s10 =	sld [smem:$0x3FB6];
	_ =	sdelay $0x3  }
0x37: {  	[smem:$0x3FB6] =	sst s10  }
0x38: {  	s10 =	sld [smem:$0x3FB7]  }
0x39: {  	_ = 	snop;
	(pc) =	sbr.ind lr, $3  }
0x3a: {  	_ = 	snop  }
0x3b: {  	_ = 	snop  }
0x3c: {  	p2 =	seq.s32 s10, $0x1;
	s10 =	sld [smem:$0x3FB6]  }
0x3d: {  	_ =	shalt  }
0x3e: {  	_ =	shalt  }
0x3f: {  	_ =	shalt  }
0x40: {  	_ =	shalt  }
0x41: {  	_ =	shalt  }
0x42: {  	_ =	shalt  }
0x43: {  	_ =	shalt  }
0x44: {  	_ =	shalt  }
0x45: {  	_ =	shalt  }
0x46: {  	_ =	shalt  }
0x47: {  	_ =	shalt  }
0x48: {  	_ =	shalt  }
0x49: {  	_ =	shalt  }
0x4a: {  	_ =	shalt  }
0x4b: {  	_ =	shalt  }
0x4c: {  	_ =	shalt  }
0x4d: {  	_ =	shalt  }
0x4e: {  	_ =	shalt  }
0x4f: {  	_ =	shalt  }
0x50: {  	_ =	shalt  }
0x51: {  	_ =	shalt  }
0x52: {  	_ =	shalt  }
0x53: {  	_ =	shalt  }
0x54: {  	_ =	shalt  }
0x55: {  	_ =	shalt  }
0x56: {  	_ =	shalt  }
0x57: {  	_ =	shalt  }
0x58: {  	_ =	shalt  }
0x59: {  	_ =	shalt  }
0x5a: {  	_ =	shalt  }
0x5b: {  	_ =	shalt  }
0x5c: {  	_ =	shalt  }
0x5d: {  	_ =	shalt  }
0x5e: {  	_ =	shalt  }
0x5f: {  	_ =	shalt  }
0x60: {  	_ =	shalt  }
0x61: {  	_ =	shalt  }
0x62: {  	_ =	shalt  }
0x63: {  	_ =	shalt  }
0x64: {  	_ =	shalt  }
0x65: {  	_ =	shalt  }
0x66: {  	_ =	shalt  }
0x67: {  	_ =	shalt  }
0x68: {  	_ =	shalt  }
0x69: {  	_ =	shalt  }
0x6a: {  	_ =	shalt  }
0x6b: {  	_ =	shalt  }
0x6c: {  	_ =	shalt  }
0x6d: {  	_ =	shalt  }
0x6e: {  	_ =	shalt  }
0x6f: {  	_ =	shalt  }
0x70: {  	_ =	shalt  }
0x71: {  	_ =	shalt  }
0x72: {  	_ =	shalt  }
0x73: {  	_ =	shalt  }
0x74: {  	_ =	shalt  }
0x75: {  	_ =	shalt  }
0x76: {  	_ =	shalt  }
0x77: {  	_ =	shalt  }
0x78: {  	_ =	shalt  }
0x79: {  	_ =	shalt  }
0x7a: {  	_ =	shalt  }
0x7b: {  	_ =	shalt  }
0x7c: {  	_ =	shalt  }
0x7d: {  	_ =	shalt  }
0x7e: {  	_ =	shalt  }
0x7f: {  	_ =	shalt  }
0x80: {  	_ =	shalt  }
0x81: {  	_ =	shalt  }
0x82: {  	_ =	shalt  }
0x83: {  	_ =	shalt  }
0x84: {  	_ =	shalt  }
0x85: {  	_ =	shalt  }
0x86: {  	_ =	shalt  }
0x87: {  	_ =	shalt  }
.Lfunc_end0:
.L_simem_size_0:
called_computation.1_lowered:
.L_overlay_start_0:
0x88: {  	s2 =	sld [smem:$0x3FD9]  }
0x89: {  	s3 =	sld [smem:$0x3FFE];
	_ =	sdelay $0x1  }
0x8a: {  	s1 =	srdreg.scid  }
0x8b: {  	s0 =	sand.u32 $0x1, s1  }
0x8c: {  	s17 =	sshll.u32 s0, $0xA;
	s2 =	sadd.s32 s3, s2  }
0x8d: {  	s2 =	sadd.s32 s2, s17  }
0x8e: {  	[smem:$0x3FC2] =	sst s2  }
0x8f: {  	_ = 	snop  }
0x90: {  	s2 =	sld [smem:$0x3FD0];
	(tm) =	ssettm $0x1  }
0x91: {  	s18 =	sld [smem:$0x3FFB];
	_ =	sdelay $0x3  }
0x92: {  	_ =	strace s18  }
0x93: {  	s3 =	sld [smem:$0x3FFC];
	_ =	sdelay $0x3  }
0x94: {  	_ =	strace s3  }
0x95: {  	s3 =	sld [smem:$0x3FFD];
	_ =	sdelay $0x3  }
0x96: {  	_ =	strace s3  }
0x97: {  	_ =	strace $0x8FFFFFFF  }
0x98: {  	s19 =	sld [smem:$0x3FDB];
	_ =	sdelay $0x1  }
0x99: {  	s4 =	simm.s32 $_scs_section_size  }
0x9a: {  	s5 =	simm.s32 $_size__tile_overlayer_lowered;
	s6 =	simm.s32 $_tile_overlayer_lowered  }
0x9b: {  	s22 =	simm.s32 $0x1BFF;
	s21 =	sshll.u32 s6, $0x1;
	s3 =	sadd.s32 s4, s19  }
0x9c: {  	s7 =	simm.s32 $0x0;
	s20 =	sshll.u32 s5, $0x1;
	s5 =	sadd.s32 s21, s3  }
0x9d: {  	[timem:s7], [sflag:s22] =	dma.local [hbm:s5], s20  }
0x9e: {  	_ =	swait.ge [sflag:s22], s20  }
0x9f: {  	s4 =	ssub.s32 $0x0, s20;
	[sflag:s22] =	ssyncset.done $0x0  }
0xa0: {  	[sflag:s22] =	ssyncadd.s32 s4;
	_ =	sdelay $0x1  }
0xa1: {  	s23 =	simm.s32 $0x1B8B  }
0xa2: {  	_ =	swait.ge [sflag:s23], $0x1  }
0xa3: {  	[sflag:s23] =	ssyncset.done $0x0  }
0xa4: {  	s25 =	simm.s32 $0x1B8E;
	s24 =	sld [smem:$0x3FFE];
	[sflag:s23] =	ssyncadd.s32 $0xFFFFFFFF  }
0xa5: {  	s26 =	simm.s32 $execute0_lowered;
	[smem:$0x3FD2] =	sst s25  }
0xa6: {  	s5 =	sshll.u32 s26, $0x1;
	_ =	strace $0x80000049;
	[dreg:$0x1] =	wrdreg $0xFFFFFFFF  }
0xa7: {  	s28 =	simm.s32 $_size_execute0_lowered;
	s3 =	sadd.s32 s3, s5;
	[dreg:$0x0] =	wrdreg $0x0  }
0xa8: {  	s5 =	sshll.u32 s28, $0x1;
	[dreg:$0x2] =	wrdreg s3  }
0xa9: {  	[dreg:$0x3] =	wrdreg s5  }
0xaa: {  	[dreg:$0x4] =	wrdreg $0xC0  }
0xab: {  	_ =	task [dreg:s7], $0x5FFFF  }
0xac: {  	[dreg:$0x1] =	wrdreg $0xFFFFFFFF  }
0xad: {  	[dreg:$0x0] =	wrdreg $0x60  }
0xae: {  	[dreg:$0x2] =	wrdreg s24  }
0xaf: {  	[dreg:$0x3] =	wrdreg s2  }
0xb0: {  	[dreg:$0x4] =	wrdreg $0xC6200  }
0xb1: {  	[dreg:$0x5] =	wrdreg $0x9  }
0xb2: {  	_ =	task.clear_ibuf [dreg:s7], $0x6FFFF;
	_ =	strace $0x90000049  }
0xb3: {  	s29 =	simm.s32 $0x9;
	_ =	strace $0x8000004B  }
0xb4: {  	_ =	swait.ge [sflag:s29], $0x1  }
0xb5: {  	[sflag:s29] =	ssyncadd.s32 $0xFFFFFFFF  }
0xb6: {  	_ =	strace $0x9000004B  }
0xb7: {  	_ =	sfence  }
0xb8: {  	s30 =	sld [smem:$0x0];
	_ =	sdelay $0x2  }
0xb9: {  	s31 =	sshll.u32 s1, $0xD;
	s1 =	sshrl.u32 s1, $0x2  }
0xba: {  	s3 =	sand.u32 $0x4000, s31;
	s1 =	sadd.s32 s1, s30  }
0xbb: {  	s0 =	sor.u32 s3, s0;
	s1 =	sshll.u32 s1, $0x11  }
0xbc: {  	s0 =	sor.u32 s1, s0  }
0xbd: {  	s0 =	sadd.s32 $0x8F2B, s0  }
0xbe: {  	[sflag:s0] =	ssyncadd.remote.s32 $0x1  }
0xbf: {  	_ =	sfence.sel $0xFFFF  }
0xc0: {  	[dreg:$0x0] =	wrdreg $0xFFFFFFFF;
	(pc) =	sbr.abs _section_cstart, $3  }
0xc1: {  	[dreg:$0x1] =	wrdreg $0xFFFFFFFF  }
0xc2: {  	_ =	task.clear_ibuf [dreg:s7], $0x2FFFF;
	_ =	strace $0x9FFFFFFF  }
0xc3: {  	(tm) =	ssettm $0x7FFFFFFF  }
tec
execute0_lowered:
.L_overlay_start_1:
0x0: {  	(tag) =	ssettag $0x1  }
0x1: {  	s0 =	rddreg [dreg:$0x0]  }
0x2: {  	s3 =	rddreg [dreg:$0x2];
	s1 =	srdreg.scid  }
0x3: {  	s9 =	stileid.u32;
	s4 =	simm.s32 $0x0;
	s12 =	simm.s32 $0x7  }
0x4: {  	s14 =	simm.s32 $0x50;
	s15 =	simm.s32 $0x4E20;
	s16 =	simm.s32 $0x7620  }
0x5: {  	s18 =	simm.s32 $0x9E20;
	s19 =	simm.s32 $0x1;
	s20 =	simm.s32 $0x2  }
0x6: {  	s21 =	simm.s32 $0x3;
	s22 =	simm.s32 $0x4;
	s23 =	simm.s32 $0x5  }
0x7: {  	s24 =	simm.s32 $0x6;
	s28 =	simm.s32 $0x4D30;
	s29 =	simm.s32 $0x2670  }
0x8: {  	s30 =	simm.s32 $0x26C0;
	s31 =	simm.s32 $0x4D80;
	s1 =	sand.u32 $0x1, s1  }
0x9: {  	s2 =	smul.u32 $0x13880, s9;
	[smem:$0x7FF] =	sst s4;
	s26 =	sshll.u32 s9, $0x6  }
0xa: {  	s5 =	sshll.u32 s1, $0x4;
	s6 =	smul.u32 $0x138800, s1;
	s1 =	ssub.s32 $0x2, s1  }
0xb: {  	_ =	strace $0x8000004A;
	s5 =	sor.u32 s9, s5;
	s25 =	sshrl.u32 s1, $0x1  }
0xc: {  	s7 =	smul.u32 $0x4E2, s5;
	s6 =	sadd.s32 s2, s6;
	s5 =	sadd.s32 $0x3E800, s0  }
0xd: {  	s1 =	ssub.s32 s1, s25;
	s2 =	sadd.s32 s2, s3;
	s25 =	simm.s32 $0x4C90  }
0xe: {  	s6 =	sshrl.u32 s6, $0x3;
	s10 =	smax.u32 s1, $0x1;
	s11 =	sshrl.u32 s2, $0x3  }
0xf: {  	s1 =	simm.s32 $0x0;
	s8 =	sadd.s32 s7, s0;
	s0 =	sadd.s32 s6, s0  }
0x10: {  	s6 =	sor.u32 $0x1C07, s26;
	s26 =	simm.s32 $0x4CE0;
	s7 =	sadd.s32 $0xCA00, s8  }
0x11: {  	s8 =	sadd.s32 $0x2C00, s8;
	s9 =	sadd.s32 $0x66800, s0;
	s0 =	simm.s32 $0x4DD0  }
.LBB2_1:
0x12: {  	s2 =	rddreg [dreg:$0x1]  }
0x13: {  	[spmem:s11], [sflag:s6] =	dma.local [hbm:s2], $0x2710  }
0x14: {  	_ =	swait.ge [sflag:s12], $0x2710  }
0x15: {  	[sflag:s12] =	ssyncset.done $0x0  }
0x16: {  	[sflag:s12] =	ssyncadd.s32 $0xFFFFD8F0  }
0x17: {  	[tilespmem:s4], [sflag:$0x7] =	stream.linear.gather [hbm4b:s7+s4], $0x2710, $0x38;
	[tilespmem:$0x1FEA0] =	vst v63  }
0x18: {  	_ =	swait.ge [sflag:s12], $0x2710  }
0x19: {  	[sflag:s12] =	ssyncset.done $0x0  }
0x1a: {  	s17 =	simm.s32 $0x2710;
	[sflag:s12] =	ssyncadd.s32 $0xFFFFD8F0  }
0x1b: {  	[tilespmem:s17], [sflag:$0x7] =	stream.linear.gather [hbm4b:s8+s4], $0x2710, $0x38;
	[tilespmem:$0x1FEA0] =	vst v63  }
0x1c: {  	_ =	swait.ge [sflag:s12], $0x2710  }
0x1d: {  	[sflag:s12] =	ssyncset.done $0x0  }
0x1e: {  	[sflag:s12] =	ssyncadd.s32 $0xFFFFD8F0  }
0x1f: {  	[bflag:$0x0] =	sbarrier.arrive $0xFFFF  }
0x20: {  	[tilespmem:s15], [sflag:$0x1] =	stream.indirect.gather [hbm4b:s5+s14], $0x80, s4, s14, $0xb8;
	[tilespmem:$0x1FEA0] =	vst v63  }
0x21: {  	_ = 	snop  }
0x22: {  	[tilespmem:s16], [sflag:$0x2] =	stream.indirect.gather [hbm4b:s5+s14], $0x80, s14, s14, $0xb8;
	[tilespmem:$0x1FEA0] =	vst v63  }
0x23: {  	s13 =	simm.s32 $0xA0  }
0x24: {  	[tilespmem:s18], [sflag:$0x3] =	stream.indirect.gather [hbm4b:s5+s14], $0x80, s13, s14, $0xb8;
	[tilespmem:$0x1FEA0] =	vst v63  }
0x25: {  	_ =	swait.ge [sflag:s19], $0x2800  }
0x26: {  	[sflag:s19] =	ssyncset.done $0x0  }
0x27: {  	s17 =	simm.s32 $0x2710;
	[sflag:s19] =	ssyncadd.s32 $0xFFFFD800  }
0x28: {  	[spmem:s3] =	stream.indirect.scatter.add.f32 [tilespmem:s15], [sflag:$0x4], $0x80, s17, s14, $0xb8;
	[tilespmem:$0x1FEA0] =	vst v63  }
0x29: {  	_ =	swait.ge [sflag:s20], $0x2800  }
0x2a: {  	[sflag:s20] =	ssyncset.done $0x0  }
0x2b: {  	s13 =	simm.s32 $0x2760;
	[sflag:s20] =	ssyncadd.s32 $0xFFFFD800  }
0x2c: {  	[spmem:s3] =	stream.indirect.scatter.add.f32 [tilespmem:s16], [sflag:$0x5], $0x80, s13, s14, $0xb8;
	[tilespmem:$0x1FEA0] =	vst v63  }
0x2d: {  	_ =	swait.ge [sflag:s21], $0x2800  }
0x2e: {  	[sflag:s21] =	ssyncset.done $0x0  }
0x2f: {  	s17 =	simm.s32 $0x27B0;
	[sflag:s21] =	ssyncadd.s32 $0xFFFFD800  }
0x30: {  	[spmem:s3] =	stream.indirect.scatter.add.f32 [tilespmem:s18], [sflag:$0x6], $0x80, s17, s14, $0xb8;
	[tilespmem:$0x1FEA0] =	vst v63  }
0x31: {  	_ =	swait.ge [sflag:s22], $0x2800  }
0x32: {  	[sflag:s22] =	ssyncset.done $0x0  }
0x33: {  	s13 =	simm.s32 $0xF0;
	[sflag:s22] =	ssyncadd.s32 $0xFFFFD800  }
0x34: {  	[tilespmem:s15], [sflag:$0x1] =	stream.indirect.gather [hbm4b:s5+s14], $0x80, s13, s14, $0xb8;
	[tilespmem:$0x1FEA0] =	vst v63  }
0x35: {  	_ =	swait.ge [sflag:s23], $0x2800  }
0x36: {  	[sflag:s23] =	ssyncset.done $0x0  }
0x37: {  	s17 =	simm.s32 $0x140;
	[sflag:s23] =	ssyncadd.s32 $0xFFFFD800  }
0x38: {  	[tilespmem:s16], [sflag:$0x2] =	stream.indirect.gather [hbm4b:s5+s14], $0x80, s17, s14, $0xb8;
	[tilespmem:$0x1FEA0] =	vst v63  }
0x39: {  	_ =	swait.ge [sflag:s24], $0x2800  }
0x3a: {  	[sflag:s24] =	ssyncset.done $0x0  }
0x3b: {  	s2 =	simm.s32 $0x3C0;
	s13 =	simm.s32 $0x190;
	[sflag:s24] =	ssyncadd.s32 $0xFFFFD800  }
.LBB2_2:
0x3c: {  	[tilespmem:s18], [sflag:$0x3] =	stream.indirect.gather [hbm4b:s5+s14], $0x80, s13, s14, $0xb8;
	[tilespmem:$0x1FEA0] =	vst v63  }
0x3d: {  	s13 =	smov.u32 s2  }
0x3e: {  	p0 =	sne.s32 s2, $0x9240;
	s2 =	sadd.s32 $0x3C0, s2;
	_ =	swait.ge [sflag:s19], $0x2800  }
0x3f: {  	s13 =	sshra.s32 s13, $0x2;
	[sflag:s19] =	ssyncset.done $0x0  }
0x40: {  	s17 =	sadd.s32 $0x2710, s13;
	[sflag:s19] =	ssyncadd.s32 $0xFFFFD800  }
0x41: {  	[spmem:s3] =	stream.indirect.scatter.add.f32 [tilespmem:s15], [sflag:$0x4], $0x80, s17, s14, $0xb8;
	[tilespmem:$0x1FEA0] =	vst v63  }
0x42: {  	_ =	swait.ge [sflag:s20], $0x2800  }
0x43: {  	[sflag:s20] =	ssyncset.done $0x0  }
0x44: {  	s17 =	sadd.s32 $0x2760, s13;
	[sflag:s20] =	ssyncadd.s32 $0xFFFFD800  }
0x45: {  	[spmem:s3] =	stream.indirect.scatter.add.f32 [tilespmem:s16], [sflag:$0x5], $0x80, s17, s14, $0xb8;
	[tilespmem:$0x1FEA0] =	vst v63  }
0x46: {  	_ =	swait.ge [sflag:s21], $0x2800  }
0x47: {  	[sflag:s21] =	ssyncset.done $0x0  }
0x48: {  	s17 =	sadd.s32 $0x27B0, s13;
	[sflag:s21] =	ssyncadd.s32 $0xFFFFD800  }
0x49: {  	[spmem:s3] =	stream.indirect.scatter.add.f32 [tilespmem:s18], [sflag:$0x6], $0x80, s17, s14, $0xb8;
	[tilespmem:$0x1FEA0] =	vst v63  }
0x4a: {  	_ =	swait.ge [sflag:s22], $0x2800  }
0x4b: {  	[sflag:s22] =	ssyncset.done $0x0  }
0x4c: {  	s17 =	sadd.s32 $0xF0, s13;
	[sflag:s22] =	ssyncadd.s32 $0xFFFFD800  }
0x4d: {  	[tilespmem:s15], [sflag:$0x1] =	stream.indirect.gather [hbm4b:s5+s14], $0x80, s17, s14, $0xb8;
	[tilespmem:$0x1FEA0] =	vst v63  }
0x4e: {  	_ =	swait.ge [sflag:s23], $0x2800  }
0x4f: {  	[sflag:s23] =	ssyncset.done $0x0  }
.Ltmp0:
0x50: {  	s17 =	sadd.s32 $0x140, s13;
	[sflag:s23] =	ssyncadd.s32 $0xFFFFD800;
	(pc) =	sbr.rel @p0 .LBB2_2-.Ltmp0, $4  }
0x51: {  	[tilespmem:s16], [sflag:$0x2] =	stream.indirect.gather [hbm4b:s5+s14], $0x80, s17, s14, $0xb8;
	[tilespmem:$0x1FEA0] =	vst v63  }
0x52: {  	_ =	swait.ge [sflag:s24], $0x2800  }
0x53: {  	[sflag:s24] =	ssyncset.done $0x0  }
0x54: {  	s13 =	sadd.s32 $0x190, s13;
	[sflag:s24] =	ssyncadd.s32 $0xFFFFD800  }
0x55: {  	[tilespmem:s18], [sflag:$0x3] =	stream.indirect.gather [hbm4b:s5+s14], $0x80, s13, s14, $0xb8;
	[tilespmem:$0x1FEA0] =	vst v63  }
0x56: {  	_ =	swait.ge [sflag:s19], $0x2800  }
0x57: {  	[sflag:s19] =	ssyncset.done $0x0  }
0x58: {  	[sflag:s19] =	ssyncadd.s32 $0xFFFFD800  }
0x59: {  	[spmem:s3] =	stream.indirect.scatter.add.f32 [tilespmem:s15], [sflag:$0x4], $0x80, s25, s14, $0xb8;
	[tilespmem:$0x1FEA0] =	vst v63  }
0x5a: {  	_ =	swait.ge [sflag:s20], $0x2800  }
0x5b: {  	[sflag:s20] =	ssyncset.done $0x0  }
0x5c: {  	[sflag:s20] =	ssyncadd.s32 $0xFFFFD800  }
0x5d: {  	[spmem:s3] =	stream.indirect.scatter.add.f32 [tilespmem:s16], [sflag:$0x5], $0x80, s26, s14, $0xb8;
	[tilespmem:$0x1FEA0] =	vst v63  }
0x5e: {  	_ =	swait.ge [sflag:s21], $0x2800  }
0x5f: {  	[sflag:s21] =	ssyncset.done $0x0  }
0x60: {  	[sflag:s21] =	ssyncadd.s32 $0xFFFFD800  }
0x61: {  	[spmem:s3] =	stream.indirect.scatter.add.f32 [tilespmem:s18], [sflag:$0x6], $0x80, s28, s14, $0xb8;
	[tilespmem:$0x1FEA0] =	vst v63  }
0x62: {  	_ =	swait.ge [sflag:s22], $0x2800  }
0x63: {  	[sflag:s22] =	ssyncset.done $0x0  }
0x64: {  	[sflag:s22] =	ssyncadd.s32 $0xFFFFD800  }
0x65: {  	[tilespmem:s15], [sflag:$0x1] =	stream.indirect.gather [hbm4b:s5+s14], $0x80, s29, s14, $0xb8;
	[tilespmem:$0x1FEA0] =	vst v63  }
0x66: {  	_ =	swait.ge [sflag:s23], $0x2800  }
0x67: {  	[sflag:s23] =	ssyncset.done $0x0  }
0x68: {  	[sflag:s23] =	ssyncadd.s32 $0xFFFFD800  }
0x69: {  	[tilespmem:s16], [sflag:$0x2] =	stream.indirect.gather [hbm4b:s5+s14], $0x80, s30, s14, $0xb8;
	[tilespmem:$0x1FEA0] =	vst v63  }
0x6a: {  	_ =	swait.ge [sflag:s24], $0x2800  }
0x6b: {  	[sflag:s24] =	ssyncset.done $0x0  }
0x6c: {  	[sflag:s24] =	ssyncadd.s32 $0xFFFFD800  }
0x6d: {  	_ =	swait.ge [sflag:s19], $0x2800  }
0x6e: {  	[sflag:s19] =	ssyncset.done $0x0  }
0x6f: {  	[sflag:s19] =	ssyncadd.s32 $0xFFFFD800  }
0x70: {  	[spmem:s3] =	stream.indirect.scatter.add.f32 [tilespmem:s15], [sflag:$0x4], $0x80, s31, s14, $0xb8;
	[tilespmem:$0x1FEA0] =	vst v63  }
0x71: {  	_ =	swait.ge [sflag:s22], $0x2800  }
0x72: {  	[sflag:s22] =	ssyncset.done $0x0  }
0x73: {  	[sflag:s22] =	ssyncadd.s32 $0xFFFFD800  }
0x74: {  	_ =	swait.ge [sflag:s20], $0x2800  }
0x75: {  	[sflag:s20] =	ssyncset.done $0x0  }
0x76: {  	[sflag:s20] =	ssyncadd.s32 $0xFFFFD800  }
0x77: {  	[spmem:s3] =	stream.indirect.scatter.add.f32 [tilespmem:s16], [sflag:$0x5], $0x80, s0, s14, $0xb8;
	[tilespmem:$0x1FEA0] =	vst v63  }
0x78: {  	_ =	swait.ge [sflag:s23], $0x2800  }
0x79: {  	s1 =	sadd.s32 $0x1, s1;
	[sflag:s23] =	ssyncset.done $0x0  }
0x7a: {  	p0 =	sne.s32 s1, s10;
	[sflag:s23] =	ssyncadd.s32 $0xFFFFD800  }
.Ltmp1:
0x7b: {  	[bflag:$0x0] =	sbarrier.arrive $0xFFFF;
	(pc) =	sbr.rel @p0 .LBB2_1-.Ltmp1, $4  }
0x7c: {  	[hbm:s9], [sflag:s6] =	dma.local [spmem:s11], $0x2710  }
0x7d: {  	_ =	swait.ge [sflag:s12], $0x2710  }
0x7e: {  	[sflag:s12] =	ssyncset.done $0x0  }
0x7f: {  	[sflag:s12] =	ssyncadd.s32 $0xFFFFD8F0  }
0x80: {  	_ =	sfence.sel $0x180000  }
0x81: {  	[bflag:$0x0] =	sbarrier.arrive $0xFFFF  }
0x82: {  	_ =	strace $0x9000004A  }
0x83: {  	s0 =	stileid.u32;
	[bflag:$0x2] =	sbarrier.arrive $0xFFFF  }
0x84: {  	p0 =	sne.s32 s0, $0x0;
	s0 =	rddreg [dreg:$0x3]  }
0x85: {  	s0 =	sadd.s32 @!p0 $0x100000, s0  }
0x86: {  	[sflag:s0] =	ssyncadd.tile.s32 @!p0 $0x1;
	_ =	shalt  }
.Lfunc_end2:
_tile_overlayer_lowered:
.L_overlay_start_2:
0x87: {  	(tag) =	ssettag $0x2  }
0x88: {  	s0 =	rddreg [dreg:$0x0];
	s2 =	stileid.u32  }
0x89: {  	s1 =	rddreg [dreg:$0x1];
	p0 =	sne.s32 s2, $0x0  }
0x8a: {  	s3 =	rddreg [dreg:$0x2];
	[bflag:$0x3] =	sbarrier.arrive $0xFFFF;
	s2 =	simm.s32 @!p0 $0x1C07  }
0x8b: {  	[timem:s3], [sflag:s2] =	dma.local @!p0 [hbm:s0], s1  }
0x8c: {  	s0 =	simm.s32 @!p0 $0x7  }
0x8d: {  	_ =	swait.ge @!p0 [sflag:s0], s1  }
0x8e: {  	s1 =	ssub.s32 @!p0 $0x0, s1;
	[sflag:s0] =	ssyncset.done @!p0 $0x0  }
0x8f: {  	[sflag:s0] =	ssyncadd.s32 @!p0 s1  }
0x90: {  	[bflag:$0x3] =	sbarrier.arrive $0xFFFF  }
0x91: {  	_ =	shalt  }

// kernel: kernel.14.cloned.1.call-start
scs
__scs_entry_jumppad:
0x0: {  	(pc) =	sbr.rel $0x88, $3  }
0x1: {  	(tag) =	ssettag $0x0;
	lr =	simm.s32 $0x1  }
0x2: {  	[smem:$0x3F9B] =	sst lr;
	_ =	strace $0xD0000000  }
0x3: {  	_ = 	snop  }
0x4: {  	_ = 	snop  }
0x5: {  	_ = 	snop  }
0x6: {  	_ = 	snop  }
0x7: {  	_ = 	snop  }
__scs_overlays_trampoline_lowered:
0x8: {  	[smem:$0x3FAA] =	sst s0  }
0x9: {  	[smem:$0x3FAB] =	sst s1  }
0xa: {  	[smem:$0x3FAC] =	sst s2  }
0xb: {  	[smem:$0x3FAD] =	sst s3  }
0xc: {  	[smem:$0x3FAE] =	sst s4  }
0xd: {  	[smem:$0x3FAF] =	sst s5  }
0xe: {  	[smem:$0x3FB0] =	sst s6  }
0xf: {  	[smem:$0x3FB1] =	sst s7  }
0x10: {  	[smem:$0x3FB2] =	sst s8  }
0x11: {  	[smem:$0x3FB3] =	sst s9;
	s0 =	simm.s32 @!p0 $0x0  }
0x12: {  	s1 =	sld [smem:$0x3F99];
	s0 =	simm.s32 @p0 $0x1  }
0x13: {  	[smem:$0x3FB4] =	sst s0;
	s0 =	simm.s32 @!p1 $0x0  }
0x14: {  	s2 =	sld [smem:$0x3F98];
	s0 =	simm.s32 @p1 $0x1  }
0x15: {  	[smem:$0x3FB5] =	sst s0;
	s0 =	simm.s32 @!p2 $0x0  }
0x16: {  	s3 =	sld [smem:$0x3FDB];
	s0 =	simm.s32 @p2 $0x1  }
0x17: {  	s4 =	simm.s32 $0x1BF5;
	[smem:$0x3FB7] =	sst s0  }
0x18: {  	s0 =	sld [smem:$0x3F9A];
	_ =	swait.ge [sflag:s4], $0x0  }
0x19: {  	s7 =	sld [smem:$0x3F9B]  }
0x1a: {  	s8 =	sadd.s32 $0xFFFFE003, lr  }
0x1b: {  	s9 =	sadd.s32 $0xFFFFFEF7, lr;
	s5 =	simm.s32 $0xFFFFFFFF;
	p2 =	slt.u32 s8, $0xFFFFF086  }
0x1c: {  	p1 =	slt.u32 s9, $0xF7A;
	s5 =	simm.s32 @!p2 $0x0  }
0x1d: {  	s5 =	simm.s32 @p1 $0x1;
	p0 =	seq.s32 s7, s2  }
0x1e: {  	s7 =	smul.u32 @!p0 $0xF7A, s2;
	p2 =	seq.s32 @!p0 s5, $0x0  }
0x1f: {  	s9 =	smul.u32 $0xF7A, s1;
	s8 =	simm.s32 @!p0 $0x1BF5;
	p2 =	por !p2, p0  }
0x20: {  	[sflag:s8] =	ssyncset.s32 @!p0 $0xFFFFF086;
	s6 =	sadd.s32 @!p0 s3, s7;
	s7 =	simm.s32 @!p0 $0x108  }
0x21: {  	s3 =	sadd.s32 s3, s9;
	s6 =	sadd.s32 @!p0 $0x88, s6;
	s7 =	simm.s32 @p2 $0x1082  }
0x22: {  	[simem:s7], [sflag:s8] =	dma.local @!p0 [hbm:s6], $0xF7A  }
0x23: {  	s9 =	sor.u32 $0xD0000000, s2;
	s6 =	simm.s32 $0x108;
	_ =	swait.ge @!p0 [sflag:s8], $0x0  }
0x24: {  	s3 =	sadd.s32 $0x88, s3;
	s6 =	simm.s32 @!p1 $0x1082;
	[sflag:s4] =	ssyncset.s32 $0xFFFFF086  }
0x25: {  	[simem:s6], [sflag:s4] =	dma.local [hbm:s3], $0xF7A  }
0x26: {  	[smem:$0x3F9B] =	sst s1;
	(tag) =	ssettag s2;
	_ =	strace s9  }
0x27: {  	s1 =	sld [smem:$0x3FAB]  }
0x28: {  	s2 =	sld [smem:$0x3FAC]  }
0x29: {  	s4 =	sld [smem:$0x3FAE]  }
0x2a: {  	p0 =	seq.s32 s5, $0x0;
	s5 =	sld [smem:$0x3FAF]  }
0x2b: {  	s6 =	sld [smem:$0x3FB0]  }
0x2c: {  	s7 =	sld [smem:$0x3FB1]  }
0x2d: {  	s3 =	simm.s32 $0x108;
	s8 =	sld [smem:$0x3FB2]  }
0x2e: {  	s3 =	simm.s32 @!p0 $0x1082;
	s9 =	sld [smem:$0x3FB3]  }
0x2f: {  	lr =	sadd.s32 s0, s3;
	s0 =	sld [smem:$0x3FAA]  }
0x30: {  	s3 =	sld [smem:$0x3FAD]  }
0x31: {  	[smem:$0x3FB6] =	sst s10  }
0x32: {  	s10 =	sld [smem:$0x3FB4];
	_ =	sdelay $0x3  }
0x33: {  	p0 =	seq.s32 s10, $0x1;
	s10 =	sld [smem:$0x3FB6];
	_ =	sdelay $0x3  }
0x34: {  	[smem:$0x3FB6] =	sst s10  }
0x35: {  	s10 =	sld [smem:$0x3FB5];
	_ =	sdelay $0x3  }
0x36: {  	p1 =	seq.s32 s10, $0x1;
	s10 =	sld [smem:$0x3FB6];
	_ =	sdelay $0x3  }
0x37: {  	[smem:$0x3FB6] =	sst s10  }
0x38: {  	s10 =	sld [smem:$0x3FB7]  }
0x39: {  	_ = 	snop;
	(pc) =	sbr.ind lr, $3  }
0x3a: {  	_ = 	snop  }
0x3b: {  	_ = 	snop  }
0x3c: {  	p2 =	seq.s32 s10, $0x1;
	s10 =	sld [smem:$0x3FB6]  }
0x3d: {  	_ =	shalt  }
0x3e: {  	_ =	shalt  }
0x3f: {  	_ =	shalt  }
0x40: {  	_ =	shalt  }
0x41: {  	_ =	shalt  }
0x42: {  	_ =	shalt  }
0x43: {  	_ =	shalt  }
0x44: {  	_ =	shalt  }
0x45: {  	_ =	shalt  }
0x46: {  	_ =	shalt  }
0x47: {  	_ =	shalt  }
0x48: {  	_ =	shalt  }
0x49: {  	_ =	shalt  }
0x4a: {  	_ =	shalt  }
0x4b: {  	_ =	shalt  }
0x4c: {  	_ =	shalt  }
0x4d: {  	_ =	shalt  }
0x4e: {  	_ =	shalt  }
0x4f: {  	_ =	shalt  }
0x50: {  	_ =	shalt  }
0x51: {  	_ =	shalt  }
0x52: {  	_ =	shalt  }
0x53: {  	_ =	shalt  }
0x54: {  	_ =	shalt  }
0x55: {  	_ =	shalt  }
0x56: {  	_ =	shalt  }
0x57: {  	_ =	shalt  }
0x58: {  	_ =	shalt  }
0x59: {  	_ =	shalt  }
0x5a: {  	_ =	shalt  }
0x5b: {  	_ =	shalt  }
0x5c: {  	_ =	shalt  }
0x5d: {  	_ =	shalt  }
0x5e: {  	_ =	shalt  }
0x5f: {  	_ =	shalt  }
0x60: {  	_ =	shalt  }
0x61: {  	_ =	shalt  }
0x62: {  	_ =	shalt  }
0x63: {  	_ =	shalt  }
0x64: {  	_ =	shalt  }
0x65: {  	_ =	shalt  }
0x66: {  	_ =	shalt  }
0x67: {  	_ =	shalt  }
0x68: {  	_ =	shalt  }
0x69: {  	_ =	shalt  }
0x6a: {  	_ =	shalt  }
0x6b: {  	_ =	shalt  }
0x6c: {  	_ =	shalt  }
0x6d: {  	_ =	shalt  }
0x6e: {  	_ =	shalt  }
0x6f: {  	_ =	shalt  }
0x70: {  	_ =	shalt  }
0x71: {  	_ =	shalt  }
0x72: {  	_ =	shalt  }
0x73: {  	_ =	shalt  }
0x74: {  	_ =	shalt  }
0x75: {  	_ =	shalt  }
0x76: {  	_ =	shalt  }
0x77: {  	_ =	shalt  }
0x78: {  	_ =	shalt  }
0x79: {  	_ =	shalt  }
0x7a: {  	_ =	shalt  }
0x7b: {  	_ =	shalt  }
0x7c: {  	_ =	shalt  }
0x7d: {  	_ =	shalt  }
0x7e: {  	_ =	shalt  }
0x7f: {  	_ =	shalt  }
0x80: {  	_ =	shalt  }
0x81: {  	_ =	shalt  }
0x82: {  	_ =	shalt  }
0x83: {  	_ =	shalt  }
0x84: {  	_ =	shalt  }
0x85: {  	_ =	shalt  }
0x86: {  	_ =	shalt  }
0x87: {  	_ =	shalt  }
.Lfunc_end0:
.L_simem_size_0:
called_computation.2_lowered:
.L_overlay_start_0:
0x88: {  	s2 =	sld [smem:$0x3FD9]  }
0x89: {  	s3 =	sld [smem:$0x3FFE];
	_ =	sdelay $0x1  }
0x8a: {  	s1 =	srdreg.scid  }
0x8b: {  	s0 =	sand.u32 $0x1, s1  }
0x8c: {  	s17 =	sshll.u32 s0, $0xA;
	s2 =	sadd.s32 s3, s2  }
0x8d: {  	s2 =	sadd.s32 s2, s17  }
0x8e: {  	[smem:$0x3FC2] =	sst s2  }
0x8f: {  	_ = 	snop  }
0x90: {  	s2 =	sld [smem:$0x3FD0];
	(tm) =	ssettm $0x1  }
0x91: {  	s18 =	sld [smem:$0x3FFB];
	_ =	sdelay $0x3  }
0x92: {  	_ =	strace s18  }
0x93: {  	s3 =	sld [smem:$0x3FFC];
	_ =	sdelay $0x3  }
0x94: {  	_ =	strace s3  }
0x95: {  	s3 =	sld [smem:$0x3FFD];
	_ =	sdelay $0x3  }
0x96: {  	_ =	strace s3  }
0x97: {  	_ =	strace $0x8FFFFFFF  }
0x98: {  	s19 =	sld [smem:$0x3FDB];
	_ =	sdelay $0x1  }
0x99: {  	s4 =	simm.s32 $_scs_section_size  }
0x9a: {  	s5 =	simm.s32 $_size__tile_overlayer_lowered;
	s6 =	simm.s32 $_tile_overlayer_lowered  }
0x9b: {  	s22 =	simm.s32 $0x1BFF;
	s21 =	sshll.u32 s6, $0x1;
	s3 =	sadd.s32 s4, s19  }
0x9c: {  	s7 =	simm.s32 $0x0;
	s20 =	sshll.u32 s5, $0x1;
	s5 =	sadd.s32 s21, s3  }
0x9d: {  	[timem:s7], [sflag:s22] =	dma.local [hbm:s5], s20  }
0x9e: {  	_ =	swait.ge [sflag:s22], s20  }
0x9f: {  	s4 =	ssub.s32 $0x0, s20;
	[sflag:s22] =	ssyncset.done $0x0  }
0xa0: {  	[sflag:s22] =	ssyncadd.s32 s4;
	_ =	sdelay $0x1  }
0xa1: {  	s23 =	simm.s32 $0x1B8B  }
0xa2: {  	_ =	swait.ge [sflag:s23], $0x1  }
0xa3: {  	[sflag:s23] =	ssyncset.done $0x0  }
0xa4: {  	s25 =	simm.s32 $0x1B8E;
	s24 =	sld [smem:$0x3FFE];
	[sflag:s23] =	ssyncadd.s32 $0xFFFFFFFF  }
0xa5: {  	s26 =	simm.s32 $execute0_lowered;
	[smem:$0x3FD2] =	sst s25  }
0xa6: {  	s5 =	sshll.u32 s26, $0x1;
	_ =	strace $0x8000004C;
	[dreg:$0x1] =	wrdreg $0xFFFFFFFF  }
0xa7: {  	s28 =	simm.s32 $_size_execute0_lowered;
	s3 =	sadd.s32 s3, s5;
	[dreg:$0x0] =	wrdreg $0x0  }
0xa8: {  	s5 =	sshll.u32 s28, $0x1;
	[dreg:$0x2] =	wrdreg s3  }
0xa9: {  	[dreg:$0x3] =	wrdreg s5  }
0xaa: {  	[dreg:$0x4] =	wrdreg $0xC0  }
0xab: {  	_ =	task [dreg:s7], $0x5FFFF  }
0xac: {  	[dreg:$0x1] =	wrdreg $0xFFFFFFFF  }
0xad: {  	[dreg:$0x0] =	wrdreg $0x60  }
0xae: {  	[dreg:$0x2] =	wrdreg s24  }
0xaf: {  	[dreg:$0x3] =	wrdreg s2  }
0xb0: {  	[dreg:$0x4] =	wrdreg $0xC6200  }
0xb1: {  	[dreg:$0x5] =	wrdreg $0x9  }
0xb2: {  	_ =	task.clear_ibuf [dreg:s7], $0x6FFFF;
	_ =	strace $0x9000004C  }
0xb3: {  	s29 =	simm.s32 $0x9;
	_ =	strace $0x8000004E  }
0xb4: {  	_ =	swait.ge [sflag:s29], $0x1  }
0xb5: {  	[sflag:s29] =	ssyncadd.s32 $0xFFFFFFFF  }
0xb6: {  	_ =	strace $0x9000004E  }
0xb7: {  	_ =	sfence  }
0xb8: {  	s30 =	sld [smem:$0x0];
	_ =	sdelay $0x2  }
0xb9: {  	s31 =	sshll.u32 s1, $0xD;
	s1 =	sshrl.u32 s1, $0x2  }
0xba: {  	s3 =	sand.u32 $0x4000, s31;
	s1 =	sadd.s32 s1, s30  }
0xbb: {  	s0 =	sor.u32 s3, s0;
	s1 =	sshll.u32 s1, $0x11  }
0xbc: {  	s0 =	sor.u32 s1, s0  }
0xbd: {  	s0 =	sadd.s32 $0x8F2B, s0  }
0xbe: {  	[sflag:s0] =	ssyncadd.remote.s32 $0x1  }
0xbf: {  	_ =	sfence.sel $0xFFFF  }
0xc0: {  	[dreg:$0x0] =	wrdreg $0xFFFFFFFF;
	(pc) =	sbr.abs _section_cstart, $3  }
0xc1: {  	[dreg:$0x1] =	wrdreg $0xFFFFFFFF  }
0xc2: {  	_ =	task.clear_ibuf [dreg:s7], $0x2FFFF;
	_ =	strace $0x9FFFFFFF  }
0xc3: {  	(tm) =	ssettm $0x7FFFFFFF  }
tec
execute0_lowered:
.L_overlay_start_1:
0x0: {  	(tag) =	ssettag $0x1  }
0x1: {  	s0 =	rddreg [dreg:$0x0]  }
0x2: {  	s3 =	rddreg [dreg:$0x2]  }
0x3: {  	s1 =	srdreg.scid;
	s8 =	stileid.u32  }
0x4: {  	s4 =	simm.s32 $0x0;
	s12 =	simm.s32 $0xD;
	s14 =	simm.s32 $0x50  }
0x5: {  	s15 =	simm.s32 $0x4E20;
	s16 =	simm.s32 $0x6220;
	s18 =	simm.s32 $0x7620  }
0x6: {  	s20 =	simm.s32 $0x8A20;
	s22 =	simm.s32 $0x9E20;
	s28 =	simm.s32 $0x3  }
0x7: {  	s29 =	simm.s32 $0x4;
	s30 =	simm.s32 $0x5;
	s31 =	simm.s32 $0x6  }
0x8: {  	s13 =	simm.s32 $0xA;
	s17 =	simm.s32 $0xB;
	s19 =	simm.s32 $0xC  }
0x9: {  	s21 =	simm.s32 $0x0;
	s1 =	sand.u32 $0x1, s1;
	s2 =	smul.u32 $0x9C40, s8  }
0xa: {  	[smem:$0x7FF] =	sst s4;
	s25 =	sshll.u32 s8, $0x6;
	s5 =	sshll.u32 s1, $0x4  }
0xb: {  	s6 =	smul.u32 $0x9C400, s1;
	s1 =	ssub.s32 $0x2, s1;
	s5 =	sor.u32 s8, s5  }
0xc: {  	_ =	strace $0x8000004D;
	s24 =	sshrl.u32 s1, $0x1;
	s7 =	smul.u32 $0x4E2, s5  }
0xd: {  	s6 =	sadd.s32 s2, s6;
	s5 =	sadd.s32 $0x16800, s0;
	s1 =	ssub.s32 s1, s24  }
0xe: {  	s2 =	sadd.s32 s2, s3;
	s24 =	simm.s32 $0xB220;
	s6 =	sshrl.u32 s6, $0x3  }
0xf: {  	s10 =	smax.u32 s1, $0x1;
	s11 =	sshrl.u32 s2, $0x3;
	s1 =	simm.s32 $0x8  }
0x10: {  	s2 =	simm.s32 $0x9;
	s7 =	sadd.s32 s7, s0;
	s0 =	sadd.s32 s6, s0  }
0x11: {  	s6 =	sor.u32 $0x1C0D, s25;
	s25 =	simm.s32 $0x1;
	s26 =	sadd.s32 $0xCA00, s7  }
0x12: {  	s7 =	sadd.s32 $0x2C00, s7;
	s9 =	sadd.s32 $0x2A800, s0;
	[dreg:$0x4] =	wrdreg s26  }
0x13: {  	s0 =	simm.s32 $0x7;
	[dreg:$0x5] =	wrdreg s7;
	s26 =	simm.s32 $0x2  }
.LBB2_1:
0x14: {  	s7 =	rddreg [dreg:$0x1]  }
0x15: {  	[spmem:s11], [sflag:s6] =	dma.local [hbm:s7], $0x1388  }
0x16: {  	_ =	swait.ge [sflag:s12], $0x1388  }
0x17: {  	[sflag:s12] =	ssyncset.done $0x0  }
0x18: {  	s8 =	rddreg [dreg:$0x4];
	[sflag:s12] =	ssyncadd.s32 $0xFFFFEC78  }
0x19: {  	[tilespmem:s4], [sflag:$0xD] =	stream.linear.gather [hbm4b:s8+s4], $0x2710, $0x38;
	[tilespmem:$0x16260] =	vst v63  }
0x1a: {  	_ =	swait.ge [sflag:s12], $0x2710  }
0x1b: {  	[sflag:s12] =	ssyncset.done $0x0  }
0x1c: {  	s8 =	simm.s32 $0x2710;
	s23 =	rddreg [dreg:$0x5];
	[sflag:s12] =	ssyncadd.s32 $0xFFFFD8F0  }
0x1d: {  	[tilespmem:s8], [sflag:$0xD] =	stream.linear.gather [hbm4b:s23+s4], $0x2710, $0x38;
	[tilespmem:$0x16260] =	vst v63  }
0x1e: {  	_ =	swait.ge [sflag:s12], $0x2710  }
0x1f: {  	[sflag:s12] =	ssyncset.done $0x0  }
0x20: {  	[sflag:s12] =	ssyncadd.s32 $0xFFFFD8F0  }
0x21: {  	[bflag:$0x0] =	sbarrier.arrive $0xFFFF  }
0x22: {  	[tilespmem:s15], [sflag:$0x1] =	stream.indirect.gather [hbm4b:s5+s14], $0x40, s4, s14, $0xb8;
	[tilespmem:$0x16260] =	vst v63  }
0x23: {  	_ = 	snop  }
0x24: {  	[tilespmem:s16], [sflag:$0x2] =	stream.indirect.gather [hbm4b:s5+s14], $0x40, s14, s14, $0xb8;
	[tilespmem:$0x16260] =	vst v63  }
0x25: {  	s23 =	simm.s32 $0xA0  }
0x26: {  	[tilespmem:s18], [sflag:$0x3] =	stream.indirect.gather [hbm4b:s5+s14], $0x40, s23, s14, $0xb8;
	[tilespmem:$0x16260] =	vst v63  }
0x27: {  	s8 =	simm.s32 $0xF0  }
0x28: {  	[tilespmem:s20], [sflag:$0x4] =	stream.indirect.gather [hbm4b:s5+s14], $0x40, s8, s14, $0xb8;
	[tilespmem:$0x16260] =	vst v63  }
0x29: {  	s23 =	simm.s32 $0x140  }
0x2a: {  	[tilespmem:s22], [sflag:$0x5] =	stream.indirect.gather [hbm4b:s5+s14], $0x40, s23, s14, $0xb8;
	[tilespmem:$0x16260] =	vst v63  }
0x2b: {  	s8 =	simm.s32 $0x190  }
0x2c: {  	[tilespmem:s24], [sflag:$0x6] =	stream.indirect.gather [hbm4b:s5+s14], $0x40, s8, s14, $0xb8;
	[tilespmem:$0x16260] =	vst v63  }
0x2d: {  	_ =	swait.ge [sflag:s25], $0x1400  }
0x2e: {  	[sflag:s25] =	ssyncset.done $0x0  }
0x2f: {  	s23 =	simm.s32 $0x2710;
	[sflag:s25] =	ssyncadd.s32 $0xFFFFEC00  }
0x30: {  	[spmem:s3] =	stream.indirect.scatter.add.f32 [tilespmem:s15], [sflag:$0x7], $0x40, s23, s14, $0xb8;
	[tilespmem:$0x16260] =	vst v63  }
0x31: {  	_ =	swait.ge [sflag:s26], $0x1400  }
0x32: {  	[sflag:s26] =	ssyncset.done $0x0  }
0x33: {  	s8 =	simm.s32 $0x2760;
	[sflag:s26] =	ssyncadd.s32 $0xFFFFEC00  }
0x34: {  	[spmem:s3] =	stream.indirect.scatter.add.f32 [tilespmem:s16], [sflag:$0x8], $0x40, s8, s14, $0xb8;
	[tilespmem:$0x16260] =	vst v63  }
0x35: {  	_ =	swait.ge [sflag:s28], $0x1400  }
0x36: {  	[sflag:s28] =	ssyncset.done $0x0  }
0x37: {  	s23 =	simm.s32 $0x27B0;
	[sflag:s28] =	ssyncadd.s32 $0xFFFFEC00  }
0x38: {  	[spmem:s3] =	stream.indirect.scatter.add.f32 [tilespmem:s18], [sflag:$0x9], $0x40, s23, s14, $0xb8;
	[tilespmem:$0x16260] =	vst v63  }
0x39: {  	_ =	swait.ge [sflag:s29], $0x1400  }
0x3a: {  	[sflag:s29] =	ssyncset.done $0x0  }
0x3b: {  	s8 =	simm.s32 $0x2800;
	[sflag:s29] =	ssyncadd.s32 $0xFFFFEC00  }
0x3c: {  	[spmem:s3] =	stream.indirect.scatter.add.f32 [tilespmem:s20], [sflag:$0xA], $0x40, s8, s14, $0xb8;
	[tilespmem:$0x16260] =	vst v63  }
0x3d: {  	_ =	swait.ge [sflag:s30], $0x1400  }
0x3e: {  	[sflag:s30] =	ssyncset.done $0x0  }
0x3f: {  	s23 =	simm.s32 $0x2850;
	[sflag:s30] =	ssyncadd.s32 $0xFFFFEC00  }
0x40: {  	[spmem:s3] =	stream.indirect.scatter.add.f32 [tilespmem:s22], [sflag:$0xB], $0x40, s23, s14, $0xb8;
	[tilespmem:$0x16260] =	vst v63  }
0x41: {  	_ =	swait.ge [sflag:s31], $0x1400  }
0x42: {  	[sflag:s31] =	ssyncset.done $0x0  }
0x43: {  	s8 =	simm.s32 $0x28A0;
	[sflag:s31] =	ssyncadd.s32 $0xFFFFEC00  }
0x44: {  	[spmem:s3] =	stream.indirect.scatter.add.f32 [tilespmem:s24], [sflag:$0xC], $0x40, s8, s14, $0xb8;
	[tilespmem:$0x16260] =	vst v63  }
0x45: {  	_ =	swait.ge [sflag:s0], $0x1400  }
0x46: {  	[sflag:s0] =	ssyncset.done $0x0  }
0x47: {  	s23 =	simm.s32 $0x1E0;
	[sflag:s0] =	ssyncadd.s32 $0xFFFFEC00  }
0x48: {  	[tilespmem:s15], [sflag:$0x1] =	stream.indirect.gather [hbm4b:s5+s14], $0x40, s23, s14, $0xb8;
	[tilespmem:$0x16260] =	vst v63  }
0x49: {  	_ =	swait.ge [sflag:s1], $0x1400  }
0x4a: {  	[sflag:s1] =	ssyncset.done $0x0  }
0x4b: {  	s8 =	simm.s32 $0x230;
	[sflag:s1] =	ssyncadd.s32 $0xFFFFEC00  }
0x4c: {  	[tilespmem:s16], [sflag:$0x2] =	stream.indirect.gather [hbm4b:s5+s14], $0x40, s8, s14, $0xb8;
	[tilespmem:$0x16260] =	vst v63  }
0x4d: {  	_ =	swait.ge [sflag:s2], $0x1400  }
0x4e: {  	[sflag:s2] =	ssyncset.done $0x0  }
0x4f: {  	s23 =	simm.s32 $0x280;
	[sflag:s2] =	ssyncadd.s32 $0xFFFFEC00  }
0x50: {  	[tilespmem:s18], [sflag:$0x3] =	stream.indirect.gather [hbm4b:s5+s14], $0x40, s23, s14, $0xb8;
	[tilespmem:$0x16260] =	vst v63  }
0x51: {  	_ =	swait.ge [sflag:s13], $0x1400  }
0x52: {  	[sflag:s13] =	ssyncset.done $0x0  }
0x53: {  	s8 =	simm.s32 $0x2D0;
	[sflag:s13] =	ssyncadd.s32 $0xFFFFEC00  }
0x54: {  	[tilespmem:s20], [sflag:$0x4] =	stream.indirect.gather [hbm4b:s5+s14], $0x40, s8, s14, $0xb8;
	[tilespmem:$0x16260] =	vst v63  }
0x55: {  	_ =	swait.ge [sflag:s17], $0x1400  }
0x56: {  	[sflag:s17] =	ssyncset.done $0x0  }
0x57: {  	s23 =	simm.s32 $0x320;
	[sflag:s17] =	ssyncadd.s32 $0xFFFFEC00  }
0x58: {  	[tilespmem:s22], [sflag:$0x5] =	stream.indirect.gather [hbm4b:s5+s14], $0x40, s23, s14, $0xb8;
	[tilespmem:$0x16260] =	vst v63  }
0x59: {  	_ =	swait.ge [sflag:s19], $0x1400  }
0x5a: {  	[sflag:s19] =	ssyncset.done $0x0  }
0x5b: {  	s7 =	simm.s32 $0x370;
	s23 =	simm.s32 $0x780;
	[sflag:s19] =	ssyncadd.s32 $0xFFFFEC00  }
.LBB2_2:
0x5c: {  	[tilespmem:s24], [sflag:$0x6] =	stream.indirect.gather [hbm4b:s5+s14], $0x40, s7, s14, $0xb8;
	[tilespmem:$0x16260] =	vst v63  }
0x5d: {  	s7 =	smov.u32 s23  }
0x5e: {  	p0 =	sne.s32 s23, $0x8700;
	s23 =	sadd.s32 $0x780, s23;
	_ =	swait.ge [sflag:s25], $0x1400  }
0x5f: {  	s7 =	sshra.s32 s7, $0x2;
	[sflag:s25] =	ssyncset.done $0x0  }
0x60: {  	s8 =	sadd.s32 $0x2710, s7;
	[sflag:s25] =	ssyncadd.s32 $0xFFFFEC00  }
0x61: {  	[spmem:s3] =	stream.indirect.scatter.add.f32 [tilespmem:s15], [sflag:$0x7], $0x40, s8, s14, $0xb8;
	[tilespmem:$0x16260] =	vst v63  }
0x62: {  	_ =	swait.ge [sflag:s26], $0x1400  }
0x63: {  	[sflag:s26] =	ssyncset.done $0x0  }
0x64: {  	s8 =	sadd.s32 $0x2760, s7;
	[sflag:s26] =	ssyncadd.s32 $0xFFFFEC00  }
0x65: {  	[spmem:s3] =	stream.indirect.scatter.add.f32 [tilespmem:s16], [sflag:$0x8], $0x40, s8, s14, $0xb8;
	[tilespmem:$0x16260] =	vst v63  }
0x66: {  	_ =	swait.ge [sflag:s28], $0x1400  }
0x67: {  	[sflag:s28] =	ssyncset.done $0x0  }
0x68: {  	s8 =	sadd.s32 $0x27B0, s7;
	[sflag:s28] =	ssyncadd.s32 $0xFFFFEC00  }
0x69: {  	[spmem:s3] =	stream.indirect.scatter.add.f32 [tilespmem:s18], [sflag:$0x9], $0x40, s8, s14, $0xb8;
	[tilespmem:$0x16260] =	vst v63  }
0x6a: {  	_ =	swait.ge [sflag:s29], $0x1400  }
0x6b: {  	[sflag:s29] =	ssyncset.done $0x0  }
0x6c: {  	s8 =	sadd.s32 $0x2800, s7;
	[sflag:s29] =	ssyncadd.s32 $0xFFFFEC00  }
0x6d: {  	[spmem:s3] =	stream.indirect.scatter.add.f32 [tilespmem:s20], [sflag:$0xA], $0x40, s8, s14, $0xb8;
	[tilespmem:$0x16260] =	vst v63  }
0x6e: {  	_ =	swait.ge [sflag:s30], $0x1400  }
0x6f: {  	[sflag:s30] =	ssyncset.done $0x0  }
0x70: {  	s8 =	sadd.s32 $0x2850, s7;
	[sflag:s30] =	ssyncadd.s32 $0xFFFFEC00  }
0x71: {  	[spmem:s3] =	stream.indirect.scatter.add.f32 [tilespmem:s22], [sflag:$0xB], $0x40, s8, s14, $0xb8;
	[tilespmem:$0x16260] =	vst v63  }
0x72: {  	_ =	swait.ge [sflag:s31], $0x1400  }
0x73: {  	[sflag:s31] =	ssyncset.done $0x0  }
0x74: {  	s8 =	sadd.s32 $0x28A0, s7;
	[sflag:s31] =	ssyncadd.s32 $0xFFFFEC00  }
0x75: {  	[spmem:s3] =	stream.indirect.scatter.add.f32 [tilespmem:s24], [sflag:$0xC], $0x40, s8, s14, $0xb8;
	[tilespmem:$0x16260] =	vst v63  }
0x76: {  	_ =	swait.ge [sflag:s0], $0x1400  }
0x77: {  	[sflag:s0] =	ssyncset.done $0x0  }
0x78: {  	s8 =	sadd.s32 $0x1E0, s7;
	[sflag:s0] =	ssyncadd.s32 $0xFFFFEC00  }
0x79: {  	[tilespmem:s15], [sflag:$0x1] =	stream.indirect.gather [hbm4b:s5+s14], $0x40, s8, s14, $0xb8;
	[tilespmem:$0x16260] =	vst v63  }
0x7a: {  	_ =	swait.ge [sflag:s1], $0x1400  }
0x7b: {  	[sflag:s1] =	ssyncset.done $0x0  }
0x7c: {  	s8 =	sadd.s32 $0x230, s7;
	[sflag:s1] =	ssyncadd.s32 $0xFFFFEC00  }
0x7d: {  	[tilespmem:s16], [sflag:$0x2] =	stream.indirect.gather [hbm4b:s5+s14], $0x40, s8, s14, $0xb8;
	[tilespmem:$0x16260] =	vst v63  }
0x7e: {  	_ =	swait.ge [sflag:s2], $0x1400  }
0x7f: {  	[sflag:s2] =	ssyncset.done $0x0  }
0x80: {  	s8 =	sadd.s32 $0x280, s7;
	[sflag:s2] =	ssyncadd.s32 $0xFFFFEC00  }
0x81: {  	[tilespmem:s18], [sflag:$0x3] =	stream.indirect.gather [hbm4b:s5+s14], $0x40, s8, s14, $0xb8;
	[tilespmem:$0x16260] =	vst v63  }
0x82: {  	_ =	swait.ge [sflag:s13], $0x1400  }
0x83: {  	[sflag:s13] =	ssyncset.done $0x0  }
0x84: {  	s8 =	sadd.s32 $0x2D0, s7;
	[sflag:s13] =	ssyncadd.s32 $0xFFFFEC00  }
0x85: {  	[tilespmem:s20], [sflag:$0x4] =	stream.indirect.gather [hbm4b:s5+s14], $0x40, s8, s14, $0xb8;
	[tilespmem:$0x16260] =	vst v63  }
0x86: {  	_ =	swait.ge [sflag:s17], $0x1400  }
0x87: {  	[sflag:s17] =	ssyncset.done $0x0  }
.Ltmp0:
0x88: {  	s8 =	sadd.s32 $0x320, s7;
	[sflag:s17] =	ssyncadd.s32 $0xFFFFEC00;
	(pc) =	sbr.rel @p0 .LBB2_2-.Ltmp0, $4  }
0x89: {  	[tilespmem:s22], [sflag:$0x5] =	stream.indirect.gather [hbm4b:s5+s14], $0x40, s8, s14, $0xb8;
	[tilespmem:$0x16260] =	vst v63  }
0x8a: {  	_ =	swait.ge [sflag:s19], $0x1400  }
0x8b: {  	[sflag:s19] =	ssyncset.done $0x0  }
0x8c: {  	s7 =	sadd.s32 $0x370, s7;
	[sflag:s19] =	ssyncadd.s32 $0xFFFFEC00  }
0x8d: {  	[tilespmem:s24], [sflag:$0x6] =	stream.indirect.gather [hbm4b:s5+s14], $0x40, s7, s14, $0xb8;
	[tilespmem:$0x16260] =	vst v63  }
0x8e: {  	_ =	swait.ge [sflag:s25], $0x1400  }
0x8f: {  	[sflag:s25] =	ssyncset.done $0x0  }
0x90: {  	s8 =	simm.s32 $0x4AB0;
	[sflag:s25] =	ssyncadd.s32 $0xFFFFEC00  }
0x91: {  	[spmem:s3] =	stream.indirect.scatter.add.f32 [tilespmem:s15], [sflag:$0x7], $0x40, s8, s14, $0xb8;
	[tilespmem:$0x16260] =	vst v63  }
0x92: {  	_ =	swait.ge [sflag:s26], $0x1400  }
0x93: {  	[sflag:s26] =	ssyncset.done $0x0  }
0x94: {  	s23 =	simm.s32 $0x4B00;
	[sflag:s26] =	ssyncadd.s32 $0xFFFFEC00  }
0x95: {  	[spmem:s3] =	stream.indirect.scatter.add.f32 [tilespmem:s16], [sflag:$0x8], $0x40, s23, s14, $0xb8;
	[tilespmem:$0x16260] =	vst v63  }
0x96: {  	_ =	swait.ge [sflag:s28], $0x1400  }
0x97: {  	[sflag:s28] =	ssyncset.done $0x0  }
0x98: {  	s8 =	simm.s32 $0x4B50;
	[sflag:s28] =	ssyncadd.s32 $0xFFFFEC00  }
0x99: {  	[spmem:s3] =	stream.indirect.scatter.add.f32 [tilespmem:s18], [sflag:$0x9], $0x40, s8, s14, $0xb8;
	[tilespmem:$0x16260] =	vst v63  }
0x9a: {  	_ =	swait.ge [sflag:s29], $0x1400  }
0x9b: {  	[sflag:s29] =	ssyncset.done $0x0  }
0x9c: {  	s23 =	simm.s32 $0x4BA0;
	[sflag:s29] =	ssyncadd.s32 $0xFFFFEC00  }
0x9d: {  	[spmem:s3] =	stream.indirect.scatter.add.f32 [tilespmem:s20], [sflag:$0xA], $0x40, s23, s14, $0xb8;
	[tilespmem:$0x16260] =	vst v63  }
0x9e: {  	_ =	swait.ge [sflag:s30], $0x1400  }
0x9f: {  	[sflag:s30] =	ssyncset.done $0x0  }
0xa0: {  	s8 =	simm.s32 $0x4BF0;
	[sflag:s30] =	ssyncadd.s32 $0xFFFFEC00  }
0xa1: {  	[spmem:s3] =	stream.indirect.scatter.add.f32 [tilespmem:s22], [sflag:$0xB], $0x40, s8, s14, $0xb8;
	[tilespmem:$0x16260] =	vst v63  }
0xa2: {  	_ =	swait.ge [sflag:s31], $0x1400  }
0xa3: {  	[sflag:s31] =	ssyncset.done $0x0  }
0xa4: {  	s23 =	simm.s32 $0x4C40;
	[sflag:s31] =	ssyncadd.s32 $0xFFFFEC00  }
0xa5: {  	[spmem:s3] =	stream.indirect.scatter.add.f32 [tilespmem:s24], [sflag:$0xC], $0x40, s23, s14, $0xb8;
	[tilespmem:$0x16260] =	vst v63  }
0xa6: {  	_ =	swait.ge [sflag:s0], $0x1400  }
0xa7: {  	[sflag:s0] =	ssyncset.done $0x0  }
0xa8: {  	s8 =	simm.s32 $0x2580;
	[sflag:s0] =	ssyncadd.s32 $0xFFFFEC00  }
0xa9: {  	[tilespmem:s15], [sflag:$0x1] =	stream.indirect.gather [hbm4b:s5+s14], $0x40, s8, s14, $0xb8;
	[tilespmem:$0x16260] =	vst v63  }
0xaa: {  	_ =	swait.ge [sflag:s1], $0x1400  }
0xab: {  	[sflag:s1] =	ssyncset.done $0x0  }
0xac: {  	s23 =	simm.s32 $0x25D0;
	[sflag:s1] =	ssyncadd.s32 $0xFFFFEC00  }
0xad: {  	[tilespmem:s16], [sflag:$0x2] =	stream.indirect.gather [hbm4b:s5+s14], $0x40, s23, s14, $0xb8;
	[tilespmem:$0x16260] =	vst v63  }
0xae: {  	_ =	swait.ge [sflag:s2], $0x1400  }
0xaf: {  	[sflag:s2] =	ssyncset.done $0x0  }
0xb0: {  	s8 =	simm.s32 $0x2620;
	[sflag:s2] =	ssyncadd.s32 $0xFFFFEC00  }
0xb1: {  	[tilespmem:s18], [sflag:$0x3] =	stream.indirect.gather [hbm4b:s5+s14], $0x40, s8, s14, $0xb8;
	[tilespmem:$0x16260] =	vst v63  }
0xb2: {  	_ =	swait.ge [sflag:s13], $0x1400  }
0xb3: {  	[sflag:s13] =	ssyncset.done $0x0  }
0xb4: {  	s23 =	simm.s32 $0x2670;
	[sflag:s13] =	ssyncadd.s32 $0xFFFFEC00  }
0xb5: {  	[tilespmem:s20], [sflag:$0x4] =	stream.indirect.gather [hbm4b:s5+s14], $0x40, s23, s14, $0xb8;
	[tilespmem:$0x16260] =	vst v63  }
0xb6: {  	_ =	swait.ge [sflag:s17], $0x1400  }
0xb7: {  	[sflag:s17] =	ssyncset.done $0x0  }
0xb8: {  	s8 =	simm.s32 $0x26C0;
	[sflag:s17] =	ssyncadd.s32 $0xFFFFEC00  }
0xb9: {  	[tilespmem:s22], [sflag:$0x5] =	stream.indirect.gather [hbm4b:s5+s14], $0x40, s8, s14, $0xb8;
	[tilespmem:$0x16260] =	vst v63  }
0xba: {  	_ =	swait.ge [sflag:s19], $0x1400  }
0xbb: {  	[sflag:s19] =	ssyncset.done $0x0  }
0xbc: {  	[sflag:s19] =	ssyncadd.s32 $0xFFFFEC00  }
0xbd: {  	_ =	swait.ge [sflag:s25], $0x1400  }
0xbe: {  	[sflag:s25] =	ssyncset.done $0x0  }
0xbf: {  	s23 =	simm.s32 $0x4C90;
	[sflag:s25] =	ssyncadd.s32 $0xFFFFEC00  }
0xc0: {  	[spmem:s3] =	stream.indirect.scatter.add.f32 [tilespmem:s15], [sflag:$0x7], $0x40, s23, s14, $0xb8;
	[tilespmem:$0x16260] =	vst v63  }
0xc1: {  	_ =	swait.ge [sflag:s0], $0x1400  }
0xc2: {  	[sflag:s0] =	ssyncset.done $0x0  }
0xc3: {  	[sflag:s0] =	ssyncadd.s32 $0xFFFFEC00  }
0xc4: {  	_ =	swait.ge [sflag:s26], $0x1400  }
0xc5: {  	[sflag:s26] =	ssyncset.done $0x0  }
0xc6: {  	s8 =	simm.s32 $0x4CE0;
	[sflag:s26] =	ssyncadd.s32 $0xFFFFEC00  }
0xc7: {  	[spmem:s3] =	stream.indirect.scatter.add.f32 [tilespmem:s16], [sflag:$0x8], $0x40, s8, s14, $0xb8;
	[tilespmem:$0x16260] =	vst v63  }
0xc8: {  	_ =	swait.ge [sflag:s1], $0x1400  }
0xc9: {  	[sflag:s1] =	ssyncset.done $0x0  }
0xca: {  	[sflag:s1] =	ssyncadd.s32 $0xFFFFEC00  }
0xcb: {  	_ =	swait.ge [sflag:s28], $0x1400  }
0xcc: {  	[sflag:s28] =	ssyncset.done $0x0  }
0xcd: {  	s23 =	simm.s32 $0x4D30;
	[sflag:s28] =	ssyncadd.s32 $0xFFFFEC00  }
0xce: {  	[spmem:s3] =	stream.indirect.scatter.add.f32 [tilespmem:s18], [sflag:$0x9], $0x40, s23, s14, $0xb8;
	[tilespmem:$0x16260] =	vst v63  }
0xcf: {  	_ =	swait.ge [sflag:s2], $0x1400  }
0xd0: {  	[sflag:s2] =	ssyncset.done $0x0  }
0xd1: {  	[sflag:s2] =	ssyncadd.s32 $0xFFFFEC00  }
0xd2: {  	_ =	swait.ge [sflag:s29], $0x1400  }
0xd3: {  	[sflag:s29] =	ssyncset.done $0x0  }
0xd4: {  	s8 =	simm.s32 $0x4D80;
	[sflag:s29] =	ssyncadd.s32 $0xFFFFEC00  }
0xd5: {  	[spmem:s3] =	stream.indirect.scatter.add.f32 [tilespmem:s20], [sflag:$0xA], $0x40, s8, s14, $0xb8;
	[tilespmem:$0x16260] =	vst v63  }
0xd6: {  	_ =	swait.ge [sflag:s13], $0x1400  }
0xd7: {  	[sflag:s13] =	ssyncset.done $0x0  }
0xd8: {  	[sflag:s13] =	ssyncadd.s32 $0xFFFFEC00  }
0xd9: {  	_ =	swait.ge [sflag:s30], $0x1400  }
0xda: {  	[sflag:s30] =	ssyncset.done $0x0  }
0xdb: {  	s23 =	simm.s32 $0x4DD0;
	[sflag:s30] =	ssyncadd.s32 $0xFFFFEC00  }
0xdc: {  	[spmem:s3] =	stream.indirect.scatter.add.f32 [tilespmem:s22], [sflag:$0xB], $0x40, s23, s14, $0xb8;
	[tilespmem:$0x16260] =	vst v63  }
0xdd: {  	_ =	swait.ge [sflag:s17], $0x1400  }
0xde: {  	s21 =	sadd.s32 $0x1, s21;
	[sflag:s17] =	ssyncset.done $0x0  }
0xdf: {  	p0 =	sne.s32 s21, s10;
	[sflag:s17] =	ssyncadd.s32 $0xFFFFEC00  }
.Ltmp1:
0xe0: {  	[bflag:$0x0] =	sbarrier.arrive $0xFFFF;
	(pc) =	sbr.rel @p0 .LBB2_1-.Ltmp1, $4  }
0xe1: {  	[hbm:s9], [sflag:s6] =	dma.local [spmem:s11], $0x1388  }
0xe2: {  	_ =	swait.ge [sflag:s12], $0x1388  }
0xe3: {  	[sflag:s12] =	ssyncset.done $0x0  }
0xe4: {  	[sflag:s12] =	ssyncadd.s32 $0xFFFFEC78  }
0xe5: {  	_ =	sfence.sel $0x180000  }
0xe6: {  	[bflag:$0x0] =	sbarrier.arrive $0xFFFF  }
0xe7: {  	_ =	strace $0x9000004D  }
0xe8: {  	s0 =	stileid.u32;
	[bflag:$0x2] =	sbarrier.arrive $0xFFFF  }
0xe9: {  	p0 =	sne.s32 s0, $0x0;
	s0 =	rddreg [dreg:$0x3]  }
0xea: {  	s0 =	sadd.s32 @!p0 $0x100000, s0  }
0xeb: {  	[sflag:s0] =	ssyncadd.tile.s32 @!p0 $0x1;
	_ =	shalt  }
.Lfunc_end2:
_tile_overlayer_lowered:
.L_overlay_start_2:
0xec: {  	(tag) =	ssettag $0x2  }
0xed: {  	s0 =	rddreg [dreg:$0x0];
	s2 =	stileid.u32  }
0xee: {  	s1 =	rddreg [dreg:$0x1];
	p0 =	sne.s32 s2, $0x0  }
0xef: {  	s3 =	rddreg [dreg:$0x2];
	[bflag:$0x3] =	sbarrier.arrive $0xFFFF;
	s2 =	simm.s32 @!p0 $0x1C0D  }
0xf0: {  	[timem:s3], [sflag:s2] =	dma.local @!p0 [hbm:s0], s1  }
0xf1: {  	s0 =	simm.s32 @!p0 $0xD  }
0xf2: {  	_ =	swait.ge @!p0 [sflag:s0], s1  }
0xf3: {  	s1 =	ssub.s32 @!p0 $0x0, s1;
	[sflag:s0] =	ssyncset.done @!p0 $0x0  }
0xf4: {  	[sflag:s0] =	ssyncadd.s32 @!p0 s1  }
0xf5: {  	[bflag:$0x3] =	sbarrier.arrive $0xFFFF  }
0xf6: {  	_ =	shalt  }

// kernel: kernel.8.cloned.1.call-start
scs
__scs_entry_jumppad:
0x0: {  	(pc) =	sbr.rel $0x88, $3  }
0x1: {  	(tag) =	ssettag $0x0;
	lr =	simm.s32 $0x1  }
0x2: {  	[smem:$0x3F9B] =	sst lr;
	_ =	strace $0xD0000000  }
0x3: {  	_ = 	snop  }
0x4: {  	_ = 	snop  }
0x5: {  	_ = 	snop  }
0x6: {  	_ = 	snop  }
0x7: {  	_ = 	snop  }
__scs_overlays_trampoline_lowered:
0x8: {  	[smem:$0x3FAA] =	sst s0  }
0x9: {  	[smem:$0x3FAB] =	sst s1  }
0xa: {  	[smem:$0x3FAC] =	sst s2  }
0xb: {  	[smem:$0x3FAD] =	sst s3  }
0xc: {  	[smem:$0x3FAE] =	sst s4  }
0xd: {  	[smem:$0x3FAF] =	sst s5  }
0xe: {  	[smem:$0x3FB0] =	sst s6  }
0xf: {  	[smem:$0x3FB1] =	sst s7  }
0x10: {  	[smem:$0x3FB2] =	sst s8  }
0x11: {  	[smem:$0x3FB3] =	sst s9;
	s0 =	simm.s32 @!p0 $0x0  }
0x12: {  	s1 =	sld [smem:$0x3F99];
	s0 =	simm.s32 @p0 $0x1  }
0x13: {  	[smem:$0x3FB4] =	sst s0;
	s0 =	simm.s32 @!p1 $0x0  }
0x14: {  	s2 =	sld [smem:$0x3F98];
	s0 =	simm.s32 @p1 $0x1  }
0x15: {  	[smem:$0x3FB5] =	sst s0;
	s0 =	simm.s32 @!p2 $0x0  }
0x16: {  	s3 =	sld [smem:$0x3FDB];
	s0 =	simm.s32 @p2 $0x1  }
0x17: {  	s4 =	simm.s32 $0x1BF5;
	[smem:$0x3FB7] =	sst s0  }
0x18: {  	s0 =	sld [smem:$0x3F9A];
	_ =	swait.ge [sflag:s4], $0x0  }
0x19: {  	s7 =	sld [smem:$0x3F9B]  }
0x1a: {  	s8 =	sadd.s32 $0xFFFFE003, lr  }
0x1b: {  	s9 =	sadd.s32 $0xFFFFFEF7, lr;
	s5 =	simm.s32 $0xFFFFFFFF;
	p2 =	slt.u32 s8, $0xFFFFF086  }
0x1c: {  	p1 =	slt.u32 s9, $0xF7A;
	s5 =	simm.s32 @!p2 $0x0  }
0x1d: {  	s5 =	simm.s32 @p1 $0x1;
	p0 =	seq.s32 s7, s2  }
0x1e: {  	s7 =	smul.u32 @!p0 $0xF7A, s2;
	p2 =	seq.s32 @!p0 s5, $0x0  }
0x1f: {  	s9 =	smul.u32 $0xF7A, s1;
	s8 =	simm.s32 @!p0 $0x1BF5;
	p2 =	por !p2, p0  }
0x20: {  	[sflag:s8] =	ssyncset.s32 @!p0 $0xFFFFF086;
	s6 =	sadd.s32 @!p0 s3, s7;
	s7 =	simm.s32 @!p0 $0x108  }
0x21: {  	s3 =	sadd.s32 s3, s9;
	s6 =	sadd.s32 @!p0 $0x88, s6;
	s7 =	simm.s32 @p2 $0x1082  }
0x22: {  	[simem:s7], [sflag:s8] =	dma.local @!p0 [hbm:s6], $0xF7A  }
0x23: {  	s9 =	sor.u32 $0xD0000000, s2;
	s6 =	simm.s32 $0x108;
	_ =	swait.ge @!p0 [sflag:s8], $0x0  }
0x24: {  	s3 =	sadd.s32 $0x88, s3;
	s6 =	simm.s32 @!p1 $0x1082;
	[sflag:s4] =	ssyncset.s32 $0xFFFFF086  }
0x25: {  	[simem:s6], [sflag:s4] =	dma.local [hbm:s3], $0xF7A  }
0x26: {  	[smem:$0x3F9B] =	sst s1;
	(tag) =	ssettag s2;
	_ =	strace s9  }
0x27: {  	s1 =	sld [smem:$0x3FAB]  }
0x28: {  	s2 =	sld [smem:$0x3FAC]  }
0x29: {  	s4 =	sld [smem:$0x3FAE]  }
0x2a: {  	p0 =	seq.s32 s5, $0x0;
	s5 =	sld [smem:$0x3FAF]  }
0x2b: {  	s6 =	sld [smem:$0x3FB0]  }
0x2c: {  	s7 =	sld [smem:$0x3FB1]  }
0x2d: {  	s3 =	simm.s32 $0x108;
	s8 =	sld [smem:$0x3FB2]  }
0x2e: {  	s3 =	simm.s32 @!p0 $0x1082;
	s9 =	sld [smem:$0x3FB3]  }
0x2f: {  	lr =	sadd.s32 s0, s3;
	s0 =	sld [smem:$0x3FAA]  }
0x30: {  	s3 =	sld [smem:$0x3FAD]  }
0x31: {  	[smem:$0x3FB6] =	sst s10  }
0x32: {  	s10 =	sld [smem:$0x3FB4];
	_ =	sdelay $0x3  }
0x33: {  	p0 =	seq.s32 s10, $0x1;
	s10 =	sld [smem:$0x3FB6];
	_ =	sdelay $0x3  }
0x34: {  	[smem:$0x3FB6] =	sst s10  }
0x35: {  	s10 =	sld [smem:$0x3FB5];
	_ =	sdelay $0x3  }
0x36: {  	p1 =	seq.s32 s10, $0x1;
	s10 =	sld [smem:$0x3FB6];
	_ =	sdelay $0x3  }
0x37: {  	[smem:$0x3FB6] =	sst s10  }
0x38: {  	s10 =	sld [smem:$0x3FB7]  }
0x39: {  	_ = 	snop;
	(pc) =	sbr.ind lr, $3  }
0x3a: {  	_ = 	snop  }
0x3b: {  	_ = 	snop  }
0x3c: {  	p2 =	seq.s32 s10, $0x1;
	s10 =	sld [smem:$0x3FB6]  }
0x3d: {  	_ =	shalt  }
0x3e: {  	_ =	shalt  }
0x3f: {  	_ =	shalt  }
0x40: {  	_ =	shalt  }
0x41: {  	_ =	shalt  }
0x42: {  	_ =	shalt  }
0x43: {  	_ =	shalt  }
0x44: {  	_ =	shalt  }
0x45: {  	_ =	shalt  }
0x46: {  	_ =	shalt  }
0x47: {  	_ =	shalt  }
0x48: {  	_ =	shalt  }
0x49: {  	_ =	shalt  }
0x4a: {  	_ =	shalt  }
0x4b: {  	_ =	shalt  }
0x4c: {  	_ =	shalt  }
0x4d: {  	_ =	shalt  }
0x4e: {  	_ =	shalt  }
0x4f: {  	_ =	shalt  }
0x50: {  	_ =	shalt  }
0x51: {  	_ =	shalt  }
0x52: {  	_ =	shalt  }
0x53: {  	_ =	shalt  }
0x54: {  	_ =	shalt  }
0x55: {  	_ =	shalt  }
0x56: {  	_ =	shalt  }
0x57: {  	_ =	shalt  }
0x58: {  	_ =	shalt  }
0x59: {  	_ =	shalt  }
0x5a: {  	_ =	shalt  }
0x5b: {  	_ =	shalt  }
0x5c: {  	_ =	shalt  }
0x5d: {  	_ =	shalt  }
0x5e: {  	_ =	shalt  }
0x5f: {  	_ =	shalt  }
0x60: {  	_ =	shalt  }
0x61: {  	_ =	shalt  }
0x62: {  	_ =	shalt  }
0x63: {  	_ =	shalt  }
0x64: {  	_ =	shalt  }
0x65: {  	_ =	shalt  }
0x66: {  	_ =	shalt  }
0x67: {  	_ =	shalt  }
0x68: {  	_ =	shalt  }
0x69: {  	_ =	shalt  }
0x6a: {  	_ =	shalt  }
0x6b: {  	_ =	shalt  }
0x6c: {  	_ =	shalt  }
0x6d: {  	_ =	shalt  }
0x6e: {  	_ =	shalt  }
0x6f: {  	_ =	shalt  }
0x70: {  	_ =	shalt  }
0x71: {  	_ =	shalt  }
0x72: {  	_ =	shalt  }
0x73: {  	_ =	shalt  }
0x74: {  	_ =	shalt  }
0x75: {  	_ =	shalt  }
0x76: {  	_ =	shalt  }
0x77: {  	_ =	shalt  }
0x78: {  	_ =	shalt  }
0x79: {  	_ =	shalt  }
0x7a: {  	_ =	shalt  }
0x7b: {  	_ =	shalt  }
0x7c: {  	_ =	shalt  }
0x7d: {  	_ =	shalt  }
0x7e: {  	_ =	shalt  }
0x7f: {  	_ =	shalt  }
0x80: {  	_ =	shalt  }
0x81: {  	_ =	shalt  }
0x82: {  	_ =	shalt  }
0x83: {  	_ =	shalt  }
0x84: {  	_ =	shalt  }
0x85: {  	_ =	shalt  }
0x86: {  	_ =	shalt  }
0x87: {  	_ =	shalt  }
.Lfunc_end0:
.L_simem_size_0:
called_computation_lowered:
.L_overlay_start_0:
0x88: {  	s2 =	sld [smem:$0x3FD9]  }
0x89: {  	s3 =	sld [smem:$0x3FFE];
	_ =	sdelay $0x1  }
0x8a: {  	s1 =	srdreg.scid  }
0x8b: {  	s0 =	sand.u32 $0x1, s1  }
0x8c: {  	s17 =	sshll.u32 s0, $0xA;
	s2 =	sadd.s32 s3, s2  }
0x8d: {  	s2 =	sadd.s32 s2, s17  }
0x8e: {  	[smem:$0x3FC2] =	sst s2  }
0x8f: {  	_ = 	snop  }
0x90: {  	s2 =	sld [smem:$0x3FD0];
	(tm) =	ssettm $0x1  }
0x91: {  	s18 =	sld [smem:$0x3FFB];
	_ =	sdelay $0x3  }
0x92: {  	_ =	strace s18  }
0x93: {  	s3 =	sld [smem:$0x3FFC];
	_ =	sdelay $0x3  }
0x94: {  	_ =	strace s3  }
0x95: {  	s3 =	sld [smem:$0x3FFD];
	_ =	sdelay $0x3  }
0x96: {  	_ =	strace s3  }
0x97: {  	_ =	strace $0x8FFFFFFF  }
0x98: {  	s19 =	sld [smem:$0x3FDB];
	_ =	sdelay $0x1  }
0x99: {  	s4 =	simm.s32 $_scs_section_size  }
0x9a: {  	s5 =	simm.s32 $_size__tile_overlayer_lowered;
	s6 =	simm.s32 $_tile_overlayer_lowered  }
0x9b: {  	s22 =	simm.s32 $0x1BFF;
	s21 =	sshll.u32 s6, $0x1;
	s3 =	sadd.s32 s4, s19  }
0x9c: {  	s7 =	simm.s32 $0x0;
	s20 =	sshll.u32 s5, $0x1;
	s5 =	sadd.s32 s21, s3  }
0x9d: {  	[timem:s7], [sflag:s22] =	dma.local [hbm:s5], s20  }
0x9e: {  	_ =	swait.ge [sflag:s22], s20  }
0x9f: {  	s4 =	ssub.s32 $0x0, s20;
	[sflag:s22] =	ssyncset.done $0x0  }
0xa0: {  	[sflag:s22] =	ssyncadd.s32 s4;
	_ =	sdelay $0x1  }
0xa1: {  	s23 =	simm.s32 $0x1B8B  }
0xa2: {  	_ =	swait.ge [sflag:s23], $0x1  }
0xa3: {  	[sflag:s23] =	ssyncset.done $0x0  }
0xa4: {  	s25 =	simm.s32 $0x1B8E;
	s24 =	sld [smem:$0x3FFE];
	[sflag:s23] =	ssyncadd.s32 $0xFFFFFFFF  }
0xa5: {  	s26 =	simm.s32 $execute0_lowered;
	[smem:$0x3FD2] =	sst s25  }
0xa6: {  	s5 =	sshll.u32 s26, $0x1;
	_ =	strace $0x80000046;
	[dreg:$0x1] =	wrdreg $0xFFFFFFFF  }
0xa7: {  	s28 =	simm.s32 $_size_execute0_lowered;
	s3 =	sadd.s32 s3, s5;
	[dreg:$0x0] =	wrdreg $0x0  }
0xa8: {  	s5 =	sshll.u32 s28, $0x1;
	[dreg:$0x2] =	wrdreg s3  }
0xa9: {  	[dreg:$0x3] =	wrdreg s5  }
0xaa: {  	[dreg:$0x4] =	wrdreg $0xC0  }
0xab: {  	_ =	task [dreg:s7], $0x5FFFF  }
0xac: {  	[dreg:$0x1] =	wrdreg $0xFFFFFFFF  }
0xad: {  	[dreg:$0x0] =	wrdreg $0x60  }
0xae: {  	[dreg:$0x2] =	wrdreg s24  }
0xaf: {  	[dreg:$0x3] =	wrdreg s2  }
0xb0: {  	[dreg:$0x4] =	wrdreg $0x9  }
0xb1: {  	_ =	task.clear_ibuf [dreg:s7], $0x5FFFF;
	_ =	strace $0x90000046  }
0xb2: {  	s29 =	simm.s32 $0x9;
	_ =	strace $0x80000048  }
0xb3: {  	_ =	swait.ge [sflag:s29], $0x1  }
0xb4: {  	[sflag:s29] =	ssyncadd.s32 $0xFFFFFFFF  }
0xb5: {  	_ =	strace $0x90000048  }
0xb6: {  	_ =	sfence  }
0xb7: {  	s30 =	sld [smem:$0x0];
	_ =	sdelay $0x2  }
0xb8: {  	s31 =	sshll.u32 s1, $0xD;
	s1 =	sshrl.u32 s1, $0x2  }
0xb9: {  	s3 =	sand.u32 $0x4000, s31;
	s1 =	sadd.s32 s1, s30  }
0xba: {  	s0 =	sor.u32 s3, s0;
	s1 =	sshll.u32 s1, $0x11  }
0xbb: {  	s0 =	sor.u32 s1, s0  }
0xbc: {  	s0 =	sadd.s32 $0x8F2B, s0  }
0xbd: {  	[sflag:s0] =	ssyncadd.remote.s32 $0x1  }
0xbe: {  	_ =	sfence.sel $0xFFFF  }
0xbf: {  	[dreg:$0x0] =	wrdreg $0xFFFFFFFF;
	(pc) =	sbr.abs _section_cstart, $3  }
0xc0: {  	[dreg:$0x1] =	wrdreg $0xFFFFFFFF  }
0xc1: {  	_ =	task.clear_ibuf [dreg:s7], $0x2FFFF;
	_ =	strace $0x9FFFFFFF  }
0xc2: {  	(tm) =	ssettm $0x7FFFFFFF  }
0xc3: {  	_ =	shalt  }
tec
execute0_lowered:
.L_overlay_start_1:
0x0: {  	(tag) =	ssettag $0x1  }
0x1: {  	s0 =	srdreg.scid;
	s4 =	rddreg [dreg:$0x0]  }
0x2: {  	s6 =	rddreg [dreg:$0x1];
	s12 =	simm.s32 $0x80;
	s3 =	sand.u32 $0x1, s0  }
0x3: {  	s13 =	simm.s32 $0x400;
	s0 =	stileid.u32;
	s1 =	sshll.u32 s3, $0x4  }
0x4: {  	s14 =	simm.s32 $0x2780;
	s15 =	simm.s32 $0x0;
	s2 =	sor.u32 s0, s1  }
0x5: {  	s7 =	sshll.u32 s0, $0x7;
	s30 =	ssub.s32 $0x2, s3;
	s5 =	sshrl.u32 s2, $0x3  }
0x6: {  	s3 =	sadd.s32 $0x2A400, s4;
	s1 =	rddreg [dreg:$0x2];
	s8 =	smul.u32 $0x13C00, s5  }
0x7: {  	s7 =	sand.u32 $0x380, s7;
	s31 =	sshrl.u32 s30, $0x1;
	s5 =	smul.u32 $0x14000, s5  }
0x8: {  	s2 =	simm.s32 $0x0;
	s11 =	ssub.s32 s30, s31;
	s8 =	sor.u32 s7, s8  }
0x9: {  	[smem:$0x7FF] =	sst s2;
	s5 =	sor.u32 s7, s5;
	s8 =	sshrl.u32 s8, $0x3  }
0xa: {  	_ =	strace $0x80000047;
	s9 =	sshrl.u32 s5, $0x3;
	s8 =	sadd.s32 s8, s4  }
0xb: {  	s10 =	sadd.s32 s9, s4;
	s6 =	sadd.s32 s6, s9;
	s9 =	simm.s32 $0x4F00  }
0xc: {  	s4 =	sadd.s32 $0x16800, s8;
	s5 =	sadd.s32 $0x20600, s8;
	s7 =	sadd.s32 $0x2AA00, s10  }
0xd: {  	v0 =	vimm.f32 $1.000000000e+00;
	s8 =	smax.u32 s11, $0x1;
	s10 =	simm.s32 $0x1;
	s11 =	simm.s32 $0x7700  }
.LBB2_1:
0xe: {  	[tilespmem:s9], [sflag:$0x1] =	stream.linear.gather [hbm4b:s3+s2], $0x2800, $0x38;
	[tilespmem:$0x9F00] =	vst v63  }
0xf: {  	_ =	swait.ge [sflag:s10], $0x2800  }
0x10: {  	[sflag:s10] =	ssyncset.done $0x0  }
0x11: {  	[sflag:s10] =	ssyncadd.s32 $0xFFFFD800  }
0x12: {  	[tilespmem:s11], [sflag:$0x1] =	stream.linear.gather [hbm4b:s3+s2], $0x2800, $0x38;
	[tilespmem:$0x9F00] =	vst v63  }
0x13: {  	_ =	swait.ge [sflag:s10], $0x2800  }
0x14: {  	[sflag:s10] =	ssyncset.done $0x0  }
0x15: {  	[sflag:s10] =	ssyncadd.s32 $0xFFFFD800  }
0x16: {  	[tilespmem:s2], [sflag:$0x1] =	stream.strided.gather [hbm4b:s4+s12], $0x2780, s13, s12, $0x38;
	[tilespmem:$0x9F00] =	vst v63  }
0x17: {  	_ =	swait.ge [sflag:s10], $0x2780  }
0x18: {  	[sflag:s10] =	ssyncset.done $0x0  }
0x19: {  	[sflag:s10] =	ssyncadd.s32 $0xFFFFD880  }
0x1a: {  	[tilespmem:s14], [sflag:$0x1] =	stream.strided.gather [hbm4b:s5+s12], $0x2780, s13, s12, $0x38;
	[tilespmem:$0x9F00] =	vst v63  }
0x1b: {  	_ =	swait.ge [sflag:s10], $0x2780  }
0x1c: {  	[sflag:s10] =	ssyncset.done $0x0  }
0x1d: {  	s17 =	simm.s32 $0x0;
	s16 =	simm.s32 $0x40;
	[sflag:s10] =	ssyncadd.s32 $0xFFFFD880  }
.LBB2_2:
0x1e: {  	p0 =	sne.s32 s16, $0x9C00;
	v1 =	vld [tilespmem:s17+$0x0];
	_ =	sdelay $0x7  }
0x1f: {  	[tilespmem:v1+s9+$0x0] =	vst.idx.add.f32.msk $0xffff, v0  }
0x20: {  	v1 =	vld [tilespmem:s17+$0x2780];
	_ =	sdelay $0x3  }
.Ltmp0:
0x21: {  	(pc) =	sbr.rel @p0 .LBB2_2-.Ltmp0, $2  }
0x22: {  	_ =	sdelay $0x2  }
0x23: {  	s17 =	sshra.s32 s16, $0x2;
	s16 =	sadd.s32 $0x40, s16;
	[tilespmem:v1+s11+$0x0] =	vst.idx.add.f32.msk $0xffff, v0  }
0x24: {  	v1 =	vld [tilespmem:s17+$0x0];
	_ =	sdelay $0x7  }
0x25: {  	[tilespmem:v1+s9+$0x0] =	vst.idx.add.f32.msk $0xffff, v0  }
0x26: {  	v1 =	vld [tilespmem:s17+$0x2780];
	_ =	sdelay $0x7  }
0x27: {  	[tilespmem:v1+s11+$0x0] =	vst.idx.add.f32.msk $0xffff, v0  }
0x28: {  	[hbm4b:s6+s12] =	stream.strided.scatter [tilespmem:s9], [sflag:$0x1], $0x2800, s13, s12, $0x38;
	[tilespmem:$0x9F00] =	vst v63  }
0x29: {  	s15 =	sadd.s32 $0x1, s15;
	_ =	swait.ge [sflag:s10], $0x2800  }
0x2a: {  	p0 =	sne.s32 s15, s8;
	[sflag:s10] =	ssyncset.done $0x0  }
.Ltmp1:
0x2b: {  	[sflag:s10] =	ssyncadd.s32 $0xFFFFD800;
	(pc) =	sbr.rel @p0 .LBB2_1-.Ltmp1, $4  }
0x2c: {  	[hbm4b:s7+s12] =	stream.strided.scatter [tilespmem:s11], [sflag:$0x1], $0x2800, s13, s12, $0x38;
	[tilespmem:$0x9F00] =	vst v63  }
0x2d: {  	_ =	swait.ge [sflag:s10], $0x2800  }
0x2e: {  	[sflag:s10] =	ssyncset.done $0x0  }
0x2f: {  	[sflag:s10] =	ssyncadd.s32 $0xFFFFD800  }
0x30: {  	_ =	sfence.sel $0x180000  }
0x31: {  	[bflag:$0x0] =	sbarrier.arrive $0xFFFF  }
0x32: {  	p0 =	sne.s32 s0, $0x0;
	_ =	strace $0x90000047  }
0x33: {  	s0 =	sadd.s32 @!p0 $0x100000, s1;
	[bflag:$0x2] =	sbarrier.arrive $0xFFFF  }
0x34: {  	[sflag:s0] =	ssyncadd.tile.s32 @!p0 $0x1;
	_ =	shalt  }
.Lfunc_end2:
_tile_overlayer_lowered:
.L_overlay_start_2:
0x35: {  	(tag) =	ssettag $0x2  }
0x36: {  	s0 =	rddreg [dreg:$0x0];
	s2 =	stileid.u32  }
0x37: {  	s1 =	rddreg [dreg:$0x1];
	p0 =	sne.s32 s2, $0x0  }
0x38: {  	s3 =	rddreg [dreg:$0x2];
	[bflag:$0x3] =	sbarrier.arrive $0xFFFF;
	s2 =	simm.s32 @!p0 $0x1C01  }
0x39: {  	[timem:s3], [sflag:s2] =	dma.local @!p0 [hbm:s0], s1  }
0x3a: {  	s0 =	simm.s32 @!p0 $0x1  }
0x3b: {  	_ =	swait.ge @!p0 [sflag:s0], s1  }
0x3c: {  	s1 =	ssub.s32 @!p0 $0x0, s1;
	[sflag:s0] =	ssyncset.done @!p0 $0x0  }
0x3d: {  	[sflag:s0] =	ssyncadd.s32 @!p0 s1  }
0x3e: {  	[bflag:$0x3] =	sbarrier.arrive $0xFFFF  }
0x3f: {  	_ =	shalt  }

</sc_bundles>
